<compile_context>
chip_gen: v7x
topology: tpu7x:2x2x1
jax: 0.10.2.dev20260603
libtpu: 0.0.44.dev20260713+nightly
codegen_flags: <defaults>
</compile_context>

<pallas_src>
import functools

import jax
import jax.numpy as jnp
from jax import lax
from jax.experimental import pallas as pl
from jax.experimental.pallas import tpu as pltpu
from jax.experimental.pallas import tpu_sc as plsc

EPS = 1e-5

NT = 16
NC = 2
CW = 128
AGG_DT = jnp.float32
WQ = 8


def _sc_mesh():
    return plsc.VectorSubcoreMesh(core_axis_name="c", subcore_axis_name="s")


def _deg_kernel(edst, npad, ch):
    rpt = npad // NT
    hch = ch // 2

    @functools.partial(
        pl.kernel,
        mesh=_sc_mesh(),
        out_type=jax.ShapeDtypeStruct((NC, npad, 16), jnp.float32),
        scratch_types=[
            pltpu.VMEM((ch, CW), jnp.int32),
            pltpu.VMEM((CW, 16), jnp.float32),
            pltpu.VMEM_SHARED((npad, 16), jnp.float32),
        ],
    )
    def run(edst_hbm, out_hbm, didx, ones_buf, dacc):
        c = lax.axis_index("c")
        s = lax.axis_index("s")
        pltpu.sync_copy(edst_hbm.at[s], didx)
        one16 = jnp.ones((16,), jnp.float32)

        @pl.loop(0, CW)
        def _(rr):
            ones_buf[rr, :] = one16

        base = s * rpt
        nfull = rpt // CW
        rem = rpt - nfull * CW
        for k in range(nfull):
            pltpu.sync_copy(ones_buf, dacc.at[pl.ds(base + k * CW, CW)])
        if rem:
            pltpu.sync_copy(ones_buf.at[pl.ds(0, rem)],
                            dacc.at[pl.ds(base + nfull * CW, rem)])
        plsc.subcore_barrier()

        @pl.loop(0, hch)
        def _(j):
            pltpu.sync_copy(ones_buf, dacc.at[didx.at[j + c * hch]], add=True)

        plsc.subcore_barrier()
        pltpu.sync_copy(dacc.at[pl.ds(s * rpt, rpt)],
                        out_hbm.at[c, pl.ds(s * rpt, rpt)])

    return run(edst)


def _agg_kernel(h_split, esrc2, edst, npad, ch):
    rpt = npad // NT

    @functools.partial(
        pl.kernel,
        mesh=_sc_mesh(),
        out_type=jax.ShapeDtypeStruct((NC * npad, 128), AGG_DT),
        scratch_types=[
            pltpu.VMEM((ch, CW), jnp.int32),
            pltpu.VMEM((ch, CW), jnp.int32),
            pltpu.VMEM((CW, 128), AGG_DT),
            pltpu.VMEM_SHARED((npad, 128), AGG_DT),
        ],
    )
    def run(h_hbm, esrc_hbm, edst_hbm, out_hbm, sidx, didx, buf, acc):
        c = lax.axis_index("c")
        s = lax.axis_index("s")
        pltpu.sync_copy(esrc_hbm.at[c, s], sidx)
        pltpu.sync_copy(edst_hbm.at[s], didx)

        zerov = jnp.zeros((16,), AGG_DT)

        @pl.loop(0, CW)
        def _(rr):
            for k in range(8):
                buf[rr, pl.ds(k * 16, 16)] = zerov

        base = s * rpt
        nfull = rpt // CW
        rem = rpt - nfull * CW
        for k in range(nfull):
            pltpu.sync_copy(buf, acc.at[pl.ds(base + k * CW, CW)])
        if rem:
            pltpu.sync_copy(buf.at[pl.ds(0, rem)],
                            acc.at[pl.ds(base + nfull * CW, rem)])
        plsc.subcore_barrier()

        @pl.loop(0, ch)
        def _(j):
            pltpu.sync_copy(h_hbm.at[sidx.at[j]], buf)
            pltpu.sync_copy(buf, acc.at[didx.at[j]], add=True)

        plsc.subcore_barrier()
        pltpu.sync_copy(acc.at[pl.ds(s * rpt, rpt)],
                        out_hbm.at[pl.ds(c * npad + s * rpt, rpt)])

    return run(h_split, esrc2, edst)


def _mm_scale(x, w, deg16, n, npad, br):
    nb = n // br
    d = x.shape[1]

    def body(x_ref, w_ref, deg_ref, out_ref):
        dinv = lax.rsqrt(deg_ref[0, :, 0:1] + deg_ref[1, :, 0:1] - 1.0)
        v = jnp.dot(x_ref[...], w_ref[...],
                    preferred_element_type=jnp.float32) * dinv
        out_ref[0] = v[:, :128]
        out_ref[1] = v[:, 128:]

    return pl.pallas_call(
        body,
        grid=(nb,),
        in_specs=[
            pl.BlockSpec((br, d), lambda r: (r, 0)),
            pl.BlockSpec((d, d), lambda r: (0, 0)),
            pl.BlockSpec((NC, br, 16), lambda r: (0, r, 0)),
        ],
        out_specs=pl.BlockSpec((NC, br, 128), lambda r: (0, r, 0)),
        out_shape=jax.ShapeDtypeStruct((NC, npad, 128), jnp.float32),
    )(x, w, deg16)


def _post_stats(a, h, deg16, n, npad, br):
    nb = n // br

    def body(a_ref, h_ref, deg_ref, p_ref, st_ref):
        r = pl.program_id(0)
        dinv = lax.rsqrt(deg_ref[0, :, 0:1] + deg_ref[1, :, 0:1] - 1.0)

        @pl.when(r == 0)
        def _():
            st_ref[...] = jnp.zeros_like(st_ref)

        for i in range(NC):
            p = (a_ref[i] + h_ref[i]) * dinv
            p_ref[i] = p
            st_ref[i, 0:1, :] += jnp.sum(p, axis=0, keepdims=True)
            st_ref[i, 1:2, :] += jnp.sum(p * p, axis=0, keepdims=True)

    return pl.pallas_call(
        body,
        grid=(nb,),
        in_specs=[
            pl.BlockSpec((NC, br, 128), lambda r: (0, r, 0)),
            pl.BlockSpec((NC, br, 128), lambda r: (0, r, 0)),
            pl.BlockSpec((NC, br, 16), lambda r: (0, r, 0)),
        ],
        out_specs=[
            pl.BlockSpec((NC, br, 128), lambda r: (0, r, 0)),
            pl.BlockSpec((NC, 2, 128), lambda r: (0, 0, 0)),
        ],
        out_shape=[
            jax.ShapeDtypeStruct((NC, npad, 128), jnp.float32),
            jax.ShapeDtypeStruct((NC, 2, 128), jnp.float32),
        ],
    )(a, h, deg16)


def _bn_relu_halves(p0_ref, p1_ref, st_ref, g_ref, bt_ref, n, relu=True):
    zs = []
    for i, pref in ((0, p0_ref), (1, p1_ref)):
        m = st_ref[i, 0:1, :] * (1.0 / n)
        ex2 = st_ref[i, 1:2, :] * (1.0 / n)
        var = ex2 - m * m
        rstd = lax.rsqrt(var + EPS)
        z = (pref[i] - m) * (rstd * g_ref[i:i + 1, :]) + bt_ref[i:i + 1, :]
        zs.append(jnp.maximum(z, 0.0) if relu else z)
    return jnp.concatenate(zs, axis=1)


def _bn_mm_scale(p, st, g, bt, w, deg16, n, npad, br):
    nb = n // br
    d = w.shape[0]

    def body(p_ref, st_ref, g_ref, bt_ref, w_ref, deg_ref, out_ref):
        z = _bn_relu_halves(p_ref, p_ref, st_ref, g_ref, bt_ref, n)
        dinv = lax.rsqrt(deg_ref[0, :, 0:1] + deg_ref[1, :, 0:1] - 1.0)
        v = jnp.dot(z, w_ref[...],
                    preferred_element_type=jnp.float32) * dinv
        out_ref[0] = v[:, :128]
        out_ref[1] = v[:, 128:]

    return pl.pallas_call(
        body,
        grid=(nb,),
        in_specs=[
            pl.BlockSpec((NC, br, 128), lambda r: (0, r, 0)),
            pl.BlockSpec((NC, 2, 128), lambda r: (0, 0, 0)),
            pl.BlockSpec((NC, 128), lambda r: (0, 0)),
            pl.BlockSpec((NC, 128), lambda r: (0, 0)),
            pl.BlockSpec((d, d), lambda r: (0, 0)),
            pl.BlockSpec((NC, br, 16), lambda r: (0, r, 0)),
        ],
        out_specs=pl.BlockSpec((NC, br, 128), lambda r: (0, r, 0)),
        out_shape=jax.ShapeDtypeStruct((NC, npad, 128), jnp.float32),
    )(p, st, g, bt, w, deg16)


def _bn_residual(p, st, g, bt, x, n, npad, br):
    nb = n // br
    d = x.shape[1]

    def body(p_ref, st_ref, g_ref, bt_ref, x_ref, out_ref):
        z = _bn_relu_halves(p_ref, p_ref, st_ref, g_ref, bt_ref, n,
                            relu=False)
        out_ref[...] = jnp.maximum(z + x_ref[...], 0.0)

    return pl.pallas_call(
        body,
        grid=(nb,),
        in_specs=[
            pl.BlockSpec((NC, br, 128), lambda r: (0, r, 0)),
            pl.BlockSpec((NC, 2, 128), lambda r: (0, 0, 0)),
            pl.BlockSpec((NC, 128), lambda r: (0, 0)),
            pl.BlockSpec((NC, 128), lambda r: (0, 0)),
            pl.BlockSpec((br, d), lambda r: (r, 0)),
        ],
        out_specs=pl.BlockSpec((br, d), lambda r: (r, 0)),
        out_shape=jax.ShapeDtypeStruct((n, d), jnp.float32),
    )(p, st, g, bt, x)


def kernel(x, edge_index, W1, b1, g1, bt1, W2, b2, g2, bt2):
    n, d = x.shape
    e = edge_index.shape[1]
    del b1, b2

    br = 2000
    npad = ((n // 128) + 1) * 128
    ch = (((e + NT - 1) // NT) + CW - 1) // CW
    ch = ((ch + 2 * WQ - 1) // (2 * WQ)) * (2 * WQ)
    ept = ch * CW
    ep = NT * ept

    src = edge_index[0].astype(jnp.int32)
    dst = edge_index[1].astype(jnp.int32)
    pad = ep - e
    src_p = jnp.concatenate([src, jnp.zeros((pad,), jnp.int32)])
    dst_p = jnp.concatenate([dst, jnp.full((pad,), n, jnp.int32)])
    esrc = src_p.reshape(NT, ch, CW)
    esrc2 = jnp.stack([esrc, esrc + npad])
    edst = dst_p.reshape(NT, ch, CW)

    g1r = g1.reshape(NC, 128)
    bt1r = bt1.reshape(NC, 128)
    g2r = g2.reshape(NC, 128)
    bt2r = bt2.reshape(NC, 128)

    deg16 = _deg_kernel(edst, npad, ch)

    h1 = _mm_scale(x, W1, deg16, n, npad, br)
    a1 = _agg_kernel(h1.reshape(NC * npad, 128), esrc2, edst, npad, ch)
    p1, st1 = _post_stats(a1.reshape(NC, npad, 128), h1, deg16, n, npad, br)

    h2 = _bn_mm_scale(p1, st1, g1r, bt1r, W2, deg16, n, npad, br)
    a2 = _agg_kernel(h2.reshape(NC * npad, 128), esrc2, edst, npad, ch)
    p2, st2 = _post_stats(a2.reshape(NC, npad, 128), h2, deg16, n, npad, br)

    return _bn_residual(p2, st2, g2r, bt2r, x, n, npad, br)

# --- scband reference (transcript-rebuilt; emitter-appended) ---
"""Pipeline reference for scband-residual-block-20255065768565 (READ-ONLY COPY).

The authoritative reference and input builder live on the scoring server;
editing this copy changes nothing except your own understanding.
"""

import jax, jax.numpy as jnp
import numpy as np

N = 10000
E = 160000
D_IN = 256
D_OUT = 256
EPS = 1e-5


def setup_inputs(seed: int = 0) -> dict:
    key = jax.random.key(seed)
    ks = jax.random.split(key, 6)
    x = jax.random.normal(ks[0], (N, D_IN), dtype=jnp.float32)
    edge_index = jax.random.randint(ks[1], (2, E), 0, N)
    s1 = 1.0 / np.sqrt(D_IN)
    s2 = 1.0 / np.sqrt(D_OUT)
    W1 = jax.random.normal(ks[2], (D_IN, D_OUT), dtype=jnp.float32) * s1
    b1 = jnp.zeros((D_OUT,), dtype=jnp.float32)
    g1 = jnp.ones((D_OUT,), dtype=jnp.float32)
    bt1 = jnp.zeros((D_OUT,), dtype=jnp.float32)
    W2 = jax.random.normal(ks[3], (D_OUT, D_OUT), dtype=jnp.float32) * s2
    b2 = jnp.zeros((D_OUT,), dtype=jnp.float32)
    g2 = jnp.ones((D_OUT,), dtype=jnp.float32)
    bt2 = jnp.zeros((D_OUT,), dtype=jnp.float32)
    return {"x": x, "edge_index": edge_index, "W1": W1, "b1": b1, "g1": g1, "bt1": bt1, "W2": W2, "b2": b2, "g2": g2, "bt2": bt2}


def gcn_conv(x, edge_index, W, b):
    # PyG GCNConv: linear transform, add self-loops, symmetric normalization, scatter-add aggregation
    n = x.shape[0]
    loop = jnp.arange(n, dtype=edge_index.dtype)
    src = jnp.concatenate([edge_index[0], loop])
    dst = jnp.concatenate([edge_index[1], loop])
    deg = jnp.zeros((n,), dtype=x.dtype).at[dst].add(1.0)
    dinv = jnp.where(deg > 0, 1.0 / jnp.sqrt(deg), 0.0)
    norm = dinv[src] * dinv[dst]
    h = x @ W
    msg = h[src] * norm[:, None]
    out = jnp.zeros((n, W.shape[1]), dtype=x.dtype).at[dst].add(msg)
    return out + b


def batch_norm(h, gamma, beta):
    # training-mode BatchNorm1d: batch statistics (biased variance)
    mean = jnp.mean(h, axis=0)
    var = jnp.mean((h - mean) ** 2, axis=0)
    return (h - mean) / jnp.sqrt(var + EPS) * gamma + beta


def reference(x, edge_index, W1, b1, g1, bt1, W2, b2, g2, bt2):
    residual = x  # in_channels == out_channels -> Identity shortcut
    h = jax.nn.relu(batch_norm(gcn_conv(x, edge_index, W1, b1), g1, bt1))
    # dropout is identity in eval / deterministic reference
    h = batch_norm(gcn_conv(h, edge_index, W2, b2), g2, bt2)
    return jax.nn.relu(h + residual)

if __name__ == "__main__":
    import jax
    _d = setup_inputs()
    print(jax.jit(kernel)(*tuple(_d.values())))

</pallas_src>

<mosaic_0001>
#map = affine_map<(d0, d1) -> (0, 0)>
#map1 = affine_map<(d0, d1) -> (0, 0, 0, 0)>
#map2 = affine_map<(d0, d1) -> (0, 0, 0)>
module attributes {stable_mosaic.version = 14 : i64} {
  func.func @run(%arg0: i32, %arg1: i32, %arg2: memref<20224x128xf32, #tpu.memory_space<hbm>>, %arg3: memref<2x16x80x128xi32, #tpu.memory_space<hbm>>, %arg4: memref<16x80x128xi32, #tpu.memory_space<hbm>>, %arg5: memref<20224x128xf32, #tpu.memory_space<hbm>>, %arg6: memref<80x128xi32, #tpu.memory_space<vmem>>, %arg7: memref<80x128xi32, #tpu.memory_space<vmem>>, %arg8: memref<128x128xf32, #tpu.memory_space<vmem>>, %arg9: memref<10112x128xf32, #tpu.memory_space<vmem_shared>>) attributes {dimension_semantics = [#tpu.dimension_semantics<core_parallel>, #tpu.dimension_semantics<subcore_parallel>], iteration_bounds = array<i64: 2, 16>, scalar_prefetch = 0 : i64, scratch_operands = 4 : i64, tpu.core_type = #tpu.core_type<sc_vector_subcore>, window_params = [{transform_indices = #map}, {transform_indices = #map1}, {transform_indices = #map2}, {transform_indices = #map}]} {
    "tpu.region"() ({
      %run_scoped3A = tpu.sem_alloc : memref<!tpu.dma_semaphore, #tpu.memory_space<semaphore_mem>>
      %dma_start3A = arith.constant 0 : i32
      %dma_start3A_28 = arith.constant 0 : i32
      %dma_start3A_29 = tpu.memref_slice %arg3[%arg0, %arg1, %dma_start3A, %dma_start3A_28] : memref<2x16x80x128xi32, #tpu.memory_space<hbm>> -> memref<1x1x80x128xi32, #tpu.memory_space<hbm>>
      %dma_start3A_30 = tpu.memref_squeeze %dma_start3A_29 : memref<1x1x80x128xi32, #tpu.memory_space<hbm>> -> memref<80x128xi32, #tpu.memory_space<hbm>>
      %dma_start3A_31 = arith.constant 0 : i32
      %dma_start3A_32 = arith.constant 0 : i32
      %dma_start3A_33 = tpu.memref_slice %arg3[%arg0, %arg1, %dma_start3A_31, %dma_start3A_32] : memref<2x16x80x128xi32, #tpu.memory_space<hbm>> -> memref<1x1x80x128xi32, #tpu.memory_space<hbm>>
      %dma_start3A_34 = tpu.memref_squeeze %dma_start3A_33 : memref<1x1x80x128xi32, #tpu.memory_space<hbm>> -> memref<80x128xi32, #tpu.memory_space<hbm>>
      tpu.enqueue_dma source(%dma_start3A_34 : memref<80x128xi32, #tpu.memory_space<hbm>>) target(%arg6 : memref<80x128xi32, #tpu.memory_space<vmem>>) target_semaphore(%run_scoped3A : memref<!tpu.dma_semaphore, #tpu.memory_space<semaphore_mem>>)
      %dma_wait3A = arith.constant 0 : i32
      %dma_wait3A_35 = arith.constant 0 : i32
      %dma_wait3A_36 = tpu.memref_slice %arg3[%arg0, %arg1, %dma_wait3A, %dma_wait3A_35] : memref<2x16x80x128xi32, #tpu.memory_space<hbm>> -> memref<1x1x80x128xi32, #tpu.memory_space<hbm>>
      %dma_wait3A_37 = tpu.memref_squeeze %dma_wait3A_36 : memref<1x1x80x128xi32, #tpu.memory_space<hbm>> -> memref<80x128xi32, #tpu.memory_space<hbm>>
      %dma_wait3A_38 = arith.constant 0 : i32
      %dma_wait3A_39 = arith.constant 0 : i32
      %dma_wait3A_40 = tpu.memref_slice %arg3[%arg0, %arg1, %dma_wait3A_38, %dma_wait3A_39] : memref<2x16x80x128xi32, #tpu.memory_space<hbm>> -> memref<1x1x80x128xi32, #tpu.memory_space<hbm>>
      %dma_wait3A_41 = tpu.memref_squeeze %dma_wait3A_40 : memref<1x1x80x128xi32, #tpu.memory_space<hbm>> -> memref<80x128xi32, #tpu.memory_space<hbm>>
      tpu.wait_dma2 semaphore(%run_scoped3A : memref<!tpu.dma_semaphore, #tpu.memory_space<semaphore_mem>>) src(%dma_wait3A_41 : memref<80x128xi32, #tpu.memory_space<hbm>>) dst(%arg6 : memref<80x128xi32, #tpu.memory_space<vmem>>)
      tpu.yield
    }) : () -> ()
    "tpu.region"() ({
      %run_scoped3A = tpu.sem_alloc : memref<!tpu.dma_semaphore, #tpu.memory_space<semaphore_mem>>
      %dma_start3A = arith.constant 0 : i32
      %dma_start3A_28 = arith.constant 0 : i32
      %dma_start3A_29 = tpu.memref_slice %arg4[%arg1, %dma_start3A, %dma_start3A_28] : memref<16x80x128xi32, #tpu.memory_space<hbm>> -> memref<1x80x128xi32, #tpu.memory_space<hbm>>
      %dma_start3A_30 = tpu.memref_squeeze %dma_start3A_29 : memref<1x80x128xi32, #tpu.memory_space<hbm>> -> memref<80x128xi32, #tpu.memory_space<hbm>>
      %dma_start3A_31 = arith.constant 0 : i32
      %dma_start3A_32 = arith.constant 0 : i32
      %dma_start3A_33 = tpu.memref_slice %arg4[%arg1, %dma_start3A_31, %dma_start3A_32] : memref<16x80x128xi32, #tpu.memory_space<hbm>> -> memref<1x80x128xi32, #tpu.memory_space<hbm>>
      %dma_start3A_34 = tpu.memref_squeeze %dma_start3A_33 : memref<1x80x128xi32, #tpu.memory_space<hbm>> -> memref<80x128xi32, #tpu.memory_space<hbm>>
      tpu.enqueue_dma source(%dma_start3A_34 : memref<80x128xi32, #tpu.memory_space<hbm>>) target(%arg7 : memref<80x128xi32, #tpu.memory_space<vmem>>) target_semaphore(%run_scoped3A : memref<!tpu.dma_semaphore, #tpu.memory_space<semaphore_mem>>)
      %dma_wait3A = arith.constant 0 : i32
      %dma_wait3A_35 = arith.constant 0 : i32
      %dma_wait3A_36 = tpu.memref_slice %arg4[%arg1, %dma_wait3A, %dma_wait3A_35] : memref<16x80x128xi32, #tpu.memory_space<hbm>> -> memref<1x80x128xi32, #tpu.memory_space<hbm>>
      %dma_wait3A_37 = tpu.memref_squeeze %dma_wait3A_36 : memref<1x80x128xi32, #tpu.memory_space<hbm>> -> memref<80x128xi32, #tpu.memory_space<hbm>>
      %dma_wait3A_38 = arith.constant 0 : i32
      %dma_wait3A_39 = arith.constant 0 : i32
      %dma_wait3A_40 = tpu.memref_slice %arg4[%arg1, %dma_wait3A_38, %dma_wait3A_39] : memref<16x80x128xi32, #tpu.memory_space<hbm>> -> memref<1x80x128xi32, #tpu.memory_space<hbm>>
      %dma_wait3A_41 = tpu.memref_squeeze %dma_wait3A_40 : memref<1x80x128xi32, #tpu.memory_space<hbm>> -> memref<80x128xi32, #tpu.memory_space<hbm>>
      tpu.wait_dma2 semaphore(%run_scoped3A : memref<!tpu.dma_semaphore, #tpu.memory_space<semaphore_mem>>) src(%dma_wait3A_41 : memref<80x128xi32, #tpu.memory_space<hbm>>) dst(%arg7 : memref<80x128xi32, #tpu.memory_space<vmem>>)
      tpu.yield
    }) : () -> ()
    %broadcast_in_dim3A = arith.constant 0.000000e+00 : f32
    %broadcast_in_dim3A_0 = vector.broadcast %broadcast_in_dim3A : f32 to vector<16xf32>
    %scan3A = arith.constant 0 : i32
    %scan3A_1 = arith.constant 128 : i32
    %scan3A_2 = arith.addi %scan3A, %scan3A_1 : i32
    %scan3A_3 = arith.constant 1 : i32
    scf.for %scan3A_28 = %scan3A to %scan3A_2 step %scan3A_3  : i32 {
      %mul3A_29 = arith.constant 1 : i32
      %mul3A_30 = arith.muli %scan3A_28, %mul3A_29 : i32
      %add3A_31 = arith.constant 0 : i32
      %add3A_32 = arith.addi %add3A_31, %mul3A_30 : i32
      %swap3A = arith.index_cast %add3A_32 : i32 to index
      %swap3A_33 = arith.constant 0 : index
      %swap3A_34 = tpu.vector_load %arg8[%swap3A, %swap3A_33] {strides = array<i32>} : memref<128x128xf32, #tpu.memory_space<vmem>>, vector<1x16xf32>,
      %swap3A_35 = vector.shape_cast %swap3A_34 : vector<1x16xf32> to vector<16xf32>
      %swap3A_36 = vector.shape_cast %broadcast_in_dim3A_0 : vector<16xf32> to vector<1x16xf32>
      tpu.vector_store %arg8[%swap3A, %swap3A_33], %swap3A_36 {strides = array<i32>} : memref<128x128xf32, #tpu.memory_space<vmem>>, vector<1x16xf32>,
      %swap3A_37 = arith.index_cast %add3A_32 : i32 to index
      %swap3A_38 = arith.constant 16 : index
      %swap3A_39 = tpu.vector_load %arg8[%swap3A_37, %swap3A_38] {strides = array<i32>} : memref<128x128xf32, #tpu.memory_space<vmem>>, vector<1x16xf32>,
      %swap3A_40 = vector.shape_cast %swap3A_39 : vector<1x16xf32> to vector<16xf32>
      %swap3A_41 = vector.shape_cast %broadcast_in_dim3A_0 : vector<16xf32> to vector<1x16xf32>
      tpu.vector_store %arg8[%swap3A_37, %swap3A_38], %swap3A_41 {strides = array<i32>} : memref<128x128xf32, #tpu.memory_space<vmem>>, vector<1x16xf32>,
      %swap3A_42 = arith.index_cast %add3A_32 : i32 to index
      %swap3A_43 = arith.constant 32 : index
      %swap3A_44 = tpu.vector_load %arg8[%swap3A_42, %swap3A_43] {strides = array<i32>} : memref<128x128xf32, #tpu.memory_space<vmem>>, vector<1x16xf32>,
      %swap3A_45 = vector.shape_cast %swap3A_44 : vector<1x16xf32> to vector<16xf32>
      %swap3A_46 = vector.shape_cast %broadcast_in_dim3A_0 : vector<16xf32> to vector<1x16xf32>
      tpu.vector_store %arg8[%swap3A_42, %swap3A_43], %swap3A_46 {strides = array<i32>} : memref<128x128xf32, #tpu.memory_space<vmem>>, vector<1x16xf32>,
      %swap3A_47 = arith.index_cast %add3A_32 : i32 to index
      %swap3A_48 = arith.constant 48 : index
      %swap3A_49 = tpu.vector_load %arg8[%swap3A_47, %swap3A_48] {strides = array<i32>} : memref<128x128xf32, #tpu.memory_space<vmem>>, vector<1x16xf32>,
      %swap3A_50 = vector.shape_cast %swap3A_49 : vector<1x16xf32> to vector<16xf32>
      %swap3A_51 = vector.shape_cast %broadcast_in_dim3A_0 : vector<16xf32> to vector<1x16xf32>
      tpu.vector_store %arg8[%swap3A_47, %swap3A_48], %swap3A_51 {strides = array<i32>} : memref<128x128xf32, #tpu.memory_space<vmem>>, vector<1x16xf32>,
      %swap3A_52 = arith.index_cast %add3A_32 : i32 to index
      %swap3A_53 = arith.constant 64 : index
      %swap3A_54 = tpu.vector_load %arg8[%swap3A_52, %swap3A_53] {strides = array<i32>} : memref<128x128xf32, #tpu.memory_space<vmem>>, vector<1x16xf32>,
      %swap3A_55 = vector.shape_cast %swap3A_54 : vector<1x16xf32> to vector<16xf32>
      %swap3A_56 = vector.shape_cast %broadcast_in_dim3A_0 : vector<16xf32> to vector<1x16xf32>
      tpu.vector_store %arg8[%swap3A_52, %swap3A_53], %swap3A_56 {strides = array<i32>} : memref<128x128xf32, #tpu.memory_space<vmem>>, vector<1x16xf32>,
      %swap3A_57 = arith.index_cast %add3A_32 : i32 to index
      %swap3A_58 = arith.constant 80 : index
      %swap3A_59 = tpu.vector_load %arg8[%swap3A_57, %swap3A_58] {strides = array<i32>} : memref<128x128xf32, #tpu.memory_space<vmem>>, vector<1x16xf32>,
      %swap3A_60 = vector.shape_cast %swap3A_59 : vector<1x16xf32> to vector<16xf32>
      %swap3A_61 = vector.shape_cast %broadcast_in_dim3A_0 : vector<16xf32> to vector<1x16xf32>
      tpu.vector_store %arg8[%swap3A_57, %swap3A_58], %swap3A_61 {strides = array<i32>} : memref<128x128xf32, #tpu.memory_space<vmem>>, vector<1x16xf32>,
      %swap3A_62 = arith.index_cast %add3A_32 : i32 to index
      %swap3A_63 = arith.constant 96 : index
      %swap3A_64 = tpu.vector_load %arg8[%swap3A_62, %swap3A_63] {strides = array<i32>} : memref<128x128xf32, #tpu.memory_space<vmem>>, vector<1x16xf32>,
      %swap3A_65 = vector.shape_cast %swap3A_64 : vector<1x16xf32> to vector<16xf32>
      %swap3A_66 = vector.shape_cast %broadcast_in_dim3A_0 : vector<16xf32> to vector<1x16xf32>
      tpu.vector_store %arg8[%swap3A_62, %swap3A_63], %swap3A_66 {strides = array<i32>} : memref<128x128xf32, #tpu.memory_space<vmem>>, vector<1x16xf32>,
      %swap3A_67 = arith.index_cast %add3A_32 : i32 to index
      %swap3A_68 = arith.constant 112 : index
      %swap3A_69 = tpu.vector_load %arg8[%swap3A_67, %swap3A_68] {strides = array<i32>} : memref<128x128xf32, #tpu.memory_space<vmem>>, vector<1x16xf32>,
      %swap3A_70 = vector.shape_cast %swap3A_69 : vector<1x16xf32> to vector<16xf32>
      %swap3A_71 = vector.shape_cast %broadcast_in_dim3A_0 : vector<16xf32> to vector<1x16xf32>
      tpu.vector_store %arg8[%swap3A_67, %swap3A_68], %swap3A_71 {strides = array<i32>} : memref<128x128xf32, #tpu.memory_space<vmem>>, vector<1x16xf32>,
    }
    %scan3A_4 = arith.constant 128 : i32
    %mul3A = arith.constant 632 : i32
    %mul3A_5 = arith.muli %arg1, %mul3A : i32
    %add3A = arith.constant 0 : i32
    %add3A_6 = arith.addi %mul3A_5, %add3A : i32
    "tpu.region"() ({
      %run_scoped3A = tpu.sem_alloc : memref<!tpu.dma_semaphore, #tpu.memory_space<semaphore_mem>>
      %dma_start3A = arith.constant 0 : i32
      %dma_start3A_28 = tpu.memref_slice %arg9[%add3A_6, %dma_start3A] : memref<10112x128xf32, #tpu.memory_space<vmem_shared>> -> memref<128x128xf32, #tpu.memory_space<vmem_shared>>
      %dma_start3A_29 = arith.constant 0 : i32
      %dma_start3A_30 = tpu.memref_slice %arg9[%add3A_6, %dma_start3A_29] : memref<10112x128xf32, #tpu.memory_space<vmem_shared>> -> memref<128x128xf32, #tpu.memory_space<vmem_shared>>
      tpu.enqueue_dma source(%arg8 : memref<128x128xf32, #tpu.memory_space<vmem>>) target(%dma_start3A_30 : memref<128x128xf32, #tpu.memory_space<vmem_shared>>) target_semaphore(%run_scoped3A : memref<!tpu.dma_semaphore, #tpu.memory_space<semaphore_mem>>)
      %dma_wait3A = arith.constant 0 : i32
      %dma_wait3A_31 = tpu.memref_slice %arg9[%add3A_6, %dma_wait3A] : memref<10112x128xf32, #tpu.memory_space<vmem_shared>> -> memref<128x128xf32, #tpu.memory_space<vmem_shared>>
      %dma_wait3A_32 = arith.constant 0 : i32
      %dma_wait3A_33 = tpu.memref_slice %arg9[%add3A_6, %dma_wait3A_32] : memref<10112x128xf32, #tpu.memory_space<vmem_shared>> -> memref<128x128xf32, #tpu.memory_space<vmem_shared>>
      tpu.wait_dma2 semaphore(%run_scoped3A : memref<!tpu.dma_semaphore, #tpu.memory_space<semaphore_mem>>) src(%arg8 : memref<128x128xf32, #tpu.memory_space<vmem>>) dst(%dma_wait3A_33 : memref<128x128xf32, #tpu.memory_space<vmem_shared>>)
      tpu.yield
    }) : () -> ()
    %add3A_7 = arith.constant 128 : i32
    %add3A_8 = arith.addi %mul3A_5, %add3A_7 : i32
    "tpu.region"() ({
      %run_scoped3A = tpu.sem_alloc : memref<!tpu.dma_semaphore, #tpu.memory_space<semaphore_mem>>
      %dma_start3A = arith.constant 0 : i32
      %dma_start3A_28 = tpu.memref_slice %arg9[%add3A_8, %dma_start3A] : memref<10112x128xf32, #tpu.memory_space<vmem_shared>> -> memref<128x128xf32, #tpu.memory_space<vmem_shared>>
      %dma_start3A_29 = arith.constant 0 : i32
      %dma_start3A_30 = tpu.memref_slice %arg9[%add3A_8, %dma_start3A_29] : memref<10112x128xf32, #tpu.memory_space<vmem_shared>> -> memref<128x128xf32, #tpu.memory_space<vmem_shared>>
      tpu.enqueue_dma source(%arg8 : memref<128x128xf32, #tpu.memory_space<vmem>>) target(%dma_start3A_30 : memref<128x128xf32, #tpu.memory_space<vmem_shared>>) target_semaphore(%run_scoped3A : memref<!tpu.dma_semaphore, #tpu.memory_space<semaphore_mem>>)
      %dma_wait3A = arith.constant 0 : i32
      %dma_wait3A_31 = tpu.memref_slice %arg9[%add3A_8, %dma_wait3A] : memref<10112x128xf32, #tpu.memory_space<vmem_shared>> -> memref<128x128xf32, #tpu.memory_space<vmem_shared>>
      %dma_wait3A_32 = arith.constant 0 : i32
      %dma_wait3A_33 = tpu.memref_slice %arg9[%add3A_8, %dma_wait3A_32] : memref<10112x128xf32, #tpu.memory_space<vmem_shared>> -> memref<128x128xf32, #tpu.memory_space<vmem_shared>>
      tpu.wait_dma2 semaphore(%run_scoped3A : memref<!tpu.dma_semaphore, #tpu.memory_space<semaphore_mem>>) src(%arg8 : memref<128x128xf32, #tpu.memory_space<vmem>>) dst(%dma_wait3A_33 : memref<128x128xf32, #tpu.memory_space<vmem_shared>>)
      tpu.yield
    }) : () -> ()
    %add3A_9 = arith.constant 256 : i32
    %add3A_10 = arith.addi %mul3A_5, %add3A_9 : i32
    "tpu.region"() ({
      %run_scoped3A = tpu.sem_alloc : memref<!tpu.dma_semaphore, #tpu.memory_space<semaphore_mem>>
      %dma_start3A = arith.constant 0 : i32
      %dma_start3A_28 = tpu.memref_slice %arg9[%add3A_10, %dma_start3A] : memref<10112x128xf32, #tpu.memory_space<vmem_shared>> -> memref<128x128xf32, #tpu.memory_space<vmem_shared>>
      %dma_start3A_29 = arith.constant 0 : i32
      %dma_start3A_30 = tpu.memref_slice %arg9[%add3A_10, %dma_start3A_29] : memref<10112x128xf32, #tpu.memory_space<vmem_shared>> -> memref<128x128xf32, #tpu.memory_space<vmem_shared>>
      tpu.enqueue_dma source(%arg8 : memref<128x128xf32, #tpu.memory_space<vmem>>) target(%dma_start3A_30 : memref<128x128xf32, #tpu.memory_space<vmem_shared>>) target_semaphore(%run_scoped3A : memref<!tpu.dma_semaphore, #tpu.memory_space<semaphore_mem>>)
      %dma_wait3A = arith.constant 0 : i32
      %dma_wait3A_31 = tpu.memref_slice %arg9[%add3A_10, %dma_wait3A] : memref<10112x128xf32, #tpu.memory_space<vmem_shared>> -> memref<128x128xf32, #tpu.memory_space<vmem_shared>>
      %dma_wait3A_32 = arith.constant 0 : i32
      %dma_wait3A_33 = tpu.memref_slice %arg9[%add3A_10, %dma_wait3A_32] : memref<10112x128xf32, #tpu.memory_space<vmem_shared>> -> memref<128x128xf32, #tpu.memory_space<vmem_shared>>
      tpu.wait_dma2 semaphore(%run_scoped3A : memref<!tpu.dma_semaphore, #tpu.memory_space<semaphore_mem>>) src(%arg8 : memref<128x128xf32, #tpu.memory_space<vmem>>) dst(%dma_wait3A_33 : memref<128x128xf32, #tpu.memory_space<vmem_shared>>)
      tpu.yield
    }) : () -> ()
    %add3A_11 = arith.constant 384 : i32
    %add3A_12 = arith.addi %mul3A_5, %add3A_11 : i32
    "tpu.region"() ({
      %run_scoped3A = tpu.sem_alloc : memref<!tpu.dma_semaphore, #tpu.memory_space<semaphore_mem>>
      %dma_start3A = arith.constant 0 : i32
      %dma_start3A_28 = tpu.memref_slice %arg9[%add3A_12, %dma_start3A] : memref<10112x128xf32, #tpu.memory_space<vmem_shared>> -> memref<128x128xf32, #tpu.memory_space<vmem_shared>>
      %dma_start3A_29 = arith.constant 0 : i32
      %dma_start3A_30 = tpu.memref_slice %arg9[%add3A_12, %dma_start3A_29] : memref<10112x128xf32, #tpu.memory_space<vmem_shared>> -> memref<128x128xf32, #tpu.memory_space<vmem_shared>>
      tpu.enqueue_dma source(%arg8 : memref<128x128xf32, #tpu.memory_space<vmem>>) target(%dma_start3A_30 : memref<128x128xf32, #tpu.memory_space<vmem_shared>>) target_semaphore(%run_scoped3A : memref<!tpu.dma_semaphore, #tpu.memory_space<semaphore_mem>>)
      %dma_wait3A = arith.constant 0 : i32
      %dma_wait3A_31 = tpu.memref_slice %arg9[%add3A_12, %dma_wait3A] : memref<10112x128xf32, #tpu.memory_space<vmem_shared>> -> memref<128x128xf32, #tpu.memory_space<vmem_shared>>
      %dma_wait3A_32 = arith.constant 0 : i32
      %dma_wait3A_33 = tpu.memref_slice %arg9[%add3A_12, %dma_wait3A_32] : memref<10112x128xf32, #tpu.memory_space<vmem_shared>> -> memref<128x128xf32, #tpu.memory_space<vmem_shared>>
      tpu.wait_dma2 semaphore(%run_scoped3A : memref<!tpu.dma_semaphore, #tpu.memory_space<semaphore_mem>>) src(%arg8 : memref<128x128xf32, #tpu.memory_space<vmem>>) dst(%dma_wait3A_33 : memref<128x128xf32, #tpu.memory_space<vmem_shared>>)
      tpu.yield
    }) : () -> ()
    %add3A_13 = arith.constant 512 : i32
    %add3A_14 = arith.addi %mul3A_5, %add3A_13 : i32
    "tpu.region"() ({
      %run_scoped3A = tpu.sem_alloc : memref<!tpu.dma_semaphore, #tpu.memory_space<semaphore_mem>>
      %dma_start3A = arith.constant 0 : i32
      %dma_start3A_28 = arith.constant 0 : i32
      %dma_start3A_29 = tpu.memref_slice %arg8[%dma_start3A, %dma_start3A_28] : memref<128x128xf32, #tpu.memory_space<vmem>> -> memref<120x128xf32, #tpu.memory_space<vmem>>
      %dma_start3A_30 = arith.constant 0 : i32
      %dma_start3A_31 = tpu.memref_slice %arg9[%add3A_14, %dma_start3A_30] : memref<10112x128xf32, #tpu.memory_space<vmem_shared>> -> memref<120x128xf32, #tpu.memory_space<vmem_shared>>
      %dma_start3A_32 = arith.constant 0 : i32
      %dma_start3A_33 = tpu.memref_slice %arg9[%add3A_14, %dma_start3A_32] : memref<10112x128xf32, #tpu.memory_space<vmem_shared>> -> memref<120x128xf32, #tpu.memory_space<vmem_shared>>
      %dma_start3A_34 = arith.constant 0 : i32
      %dma_start3A_35 = arith.constant 0 : i32
      %dma_start3A_36 = tpu.memref_slice %arg8[%dma_start3A_34, %dma_start3A_35] : memref<128x128xf32, #tpu.memory_space<vmem>> -> memref<120x128xf32, #tpu.memory_space<vmem>>
      tpu.enqueue_dma source(%dma_start3A_36 : memref<120x128xf32, #tpu.memory_space<vmem>>) target(%dma_start3A_33 : memref<120x128xf32, #tpu.memory_space<vmem_shared>>) target_semaphore(%run_scoped3A : memref<!tpu.dma_semaphore, #tpu.memory_space<semaphore_mem>>)
      %dma_wait3A = arith.constant 0 : i32
      %dma_wait3A_37 = arith.constant 0 : i32
      %dma_wait3A_38 = tpu.memref_slice %arg8[%dma_wait3A, %dma_wait3A_37] : memref<128x128xf32, #tpu.memory_space<vmem>> -> memref<120x128xf32, #tpu.memory_space<vmem>>
      %dma_wait3A_39 = arith.constant 0 : i32
      %dma_wait3A_40 = tpu.memref_slice %arg9[%add3A_14, %dma_wait3A_39] : memref<10112x128xf32, #tpu.memory_space<vmem_shared>> -> memref<120x128xf32, #tpu.memory_space<vmem_shared>>
      %dma_wait3A_41 = arith.constant 0 : i32
      %dma_wait3A_42 = tpu.memref_slice %arg9[%add3A_14, %dma_wait3A_41] : memref<10112x128xf32, #tpu.memory_space<vmem_shared>> -> memref<120x128xf32, #tpu.memory_space<vmem_shared>>
      %dma_wait3A_43 = arith.constant 0 : i32
      %dma_wait3A_44 = arith.constant 0 : i32
      %dma_wait3A_45 = tpu.memref_slice %arg8[%dma_wait3A_43, %dma_wait3A_44] : memref<128x128xf32, #tpu.memory_space<vmem>> -> memref<120x128xf32, #tpu.memory_space<vmem>>
      tpu.wait_dma2 semaphore(%run_scoped3A : memref<!tpu.dma_semaphore, #tpu.memory_space<semaphore_mem>>) src(%dma_wait3A_45 : memref<120x128xf32, #tpu.memory_space<vmem>>) dst(%dma_wait3A_42 : memref<120x128xf32, #tpu.memory_space<vmem_shared>>)
      tpu.yield
    }) : () -> ()
    %barrier3A = arith.constant 0 : index
    tpu.barrier barrier_id(%barrier3A)
    %scan3A_15 = arith.constant 0 : i32
    %scan3A_16 = arith.constant 80 : i32
    %scan3A_17 = arith.addi %scan3A_15, %scan3A_16 : i32
    %scan3A_18 = arith.constant 1 : i32
    scf.for %scan3A_28 = %scan3A_15 to %scan3A_17 step %scan3A_18  : i32 {
      %mul3A_29 = arith.constant 1 : i32
      %mul3A_30 = arith.muli %scan3A_28, %mul3A_29 : i32
      %add3A_31 = arith.constant 0 : i32
      %add3A_32 = arith.addi %add3A_31, %mul3A_30 : i32
      "tpu.region"() ({
        %run_scoped3A = tpu.sem_alloc : memref<!tpu.dma_semaphore, #tpu.memory_space<semaphore_mem>>
        %dma_start3A = arith.constant 0 : i32
        %dma_start3A_33 = tpu.memref_slice %arg6[%add3A_32, %dma_start3A] : memref<80x128xi32, #tpu.memory_space<vmem>> -> memref<1x128xi32, #tpu.memory_space<vmem>>
        %dma_start3A_34 = tpu.memref_squeeze %dma_start3A_33 : memref<1x128xi32, #tpu.memory_space<vmem>> -> memref<128xi32, #tpu.memory_space<vmem>>
        %dma_start3A_35 = arith.constant 0 : i32
        %dma_start3A_36 = arith.constant 0 : i32
        %dma_start3A_37 = tpu.memref_slice %arg2[%dma_start3A_35, %dma_start3A_36] : memref<20224x128xf32, #tpu.memory_space<hbm>> -> memref<20224x128xf32, #tpu.memory_space<hbm>>
        tpu.enqueue_indirect_dma source(%dma_start3A_37 : memref<20224x128xf32, #tpu.memory_space<hbm>>) target(%arg8 : memref<128x128xf32, #tpu.memory_space<vmem>>) offsets(%dma_start3A_34 : memref<128xi32, #tpu.memory_space<vmem>>) semaphore(%run_scoped3A : memref<!tpu.dma_semaphore, #tpu.memory_space<semaphore_mem>>)
        %dma_wait3A = arith.constant 0 : i32
        %dma_wait3A_38 = tpu.memref_slice %arg6[%add3A_32, %dma_wait3A] : memref<80x128xi32, #tpu.memory_space<vmem>> -> memref<1x128xi32, #tpu.memory_space<vmem>>
        %dma_wait3A_39 = tpu.memref_squeeze %dma_wait3A_38 : memref<1x128xi32, #tpu.memory_space<vmem>> -> memref<128xi32, #tpu.memory_space<vmem>>
        %dma_wait3A_40 = arith.constant 0 : i32
        %dma_wait3A_41 = arith.constant 0 : i32
        %dma_wait3A_42 = tpu.memref_slice %arg2[%dma_wait3A_40, %dma_wait3A_41] : memref<20224x128xf32, #tpu.memory_space<hbm>> -> memref<20224x128xf32, #tpu.memory_space<hbm>>
        tpu.wait_indirect_dma semaphore(%run_scoped3A : memref<!tpu.dma_semaphore, #tpu.memory_space<semaphore_mem>>) src(%dma_wait3A_42 : memref<20224x128xf32, #tpu.memory_space<hbm>>) dst(%arg8 : memref<128x128xf32, #tpu.memory_space<vmem>>)
        tpu.yield
      }) : () -> ()
      "tpu.region"() ({
        %run_scoped3A = tpu.sem_alloc : memref<!tpu.dma_semaphore, #tpu.memory_space<semaphore_mem>>
        %dma_start3A = arith.constant 0 : i32
        %dma_start3A_33 = tpu.memref_slice %arg7[%add3A_32, %dma_start3A] : memref<80x128xi32, #tpu.memory_space<vmem>> -> memref<1x128xi32, #tpu.memory_space<vmem>>
        %dma_start3A_34 = tpu.memref_squeeze %dma_start3A_33 : memref<1x128xi32, #tpu.memory_space<vmem>> -> memref<128xi32, #tpu.memory_space<vmem>>
        %dma_start3A_35 = arith.constant 0 : i32
        %dma_start3A_36 = arith.constant 0 : i32
        %dma_start3A_37 = tpu.memref_slice %arg9[%dma_start3A_35, %dma_start3A_36] : memref<10112x128xf32, #tpu.memory_space<vmem_shared>> -> memref<10112x128xf32, #tpu.memory_space<vmem_shared>>
        tpu.enqueue_indirect_dma source(%arg8 : memref<128x128xf32, #tpu.memory_space<vmem>>) target(%dma_start3A_37 : memref<10112x128xf32, #tpu.memory_space<vmem_shared>>) offsets(%dma_start3A_34 : memref<128xi32, #tpu.memory_space<vmem>>) semaphore(%run_scoped3A : memref<!tpu.dma_semaphore, #tpu.memory_space<semaphore_mem>>) {add = true}
        %dma_wait3A = arith.constant 0 : i32
        %dma_wait3A_38 = tpu.memref_slice %arg7[%add3A_32, %dma_wait3A] : memref<80x128xi32, #tpu.memory_space<vmem>> -> memref<1x128xi32, #tpu.memory_space<vmem>>
        %dma_wait3A_39 = tpu.memref_squeeze %dma_wait3A_38 : memref<1x128xi32, #tpu.memory_space<vmem>> -> memref<128xi32, #tpu.memory_space<vmem>>
        %dma_wait3A_40 = arith.constant 0 : i32
        %dma_wait3A_41 = arith.constant 0 : i32
        %dma_wait3A_42 = tpu.memref_slice %arg9[%dma_wait3A_40, %dma_wait3A_41] : memref<10112x128xf32, #tpu.memory_space<vmem_shared>> -> memref<10112x128xf32, #tpu.memory_space<vmem_shared>>
        tpu.wait_indirect_dma semaphore(%run_scoped3A : memref<!tpu.dma_semaphore, #tpu.memory_space<semaphore_mem>>) src(%arg8 : memref<128x128xf32, #tpu.memory_space<vmem>>) dst(%dma_wait3A_42 : memref<10112x128xf32, #tpu.memory_space<vmem_shared>>)
        tpu.yield
      }) : () -> ()
    }
    %scan3A_19 = arith.constant 80 : i32
    %barrier3A_20 = arith.constant 0 : index
    tpu.barrier barrier_id(%barrier3A_20)
    %mul3A_21 = arith.constant 632 : i32
    %mul3A_22 = arith.muli %arg1, %mul3A_21 : i32
    %mul3A_23 = arith.constant 10112 : i32
    %mul3A_24 = arith.muli %arg0, %mul3A_23 : i32
    %mul3A_25 = arith.constant 632 : i32
    %mul3A_26 = arith.muli %arg1, %mul3A_25 : i32
    %add3A_27 = arith.addi %mul3A_24, %mul3A_26 : i32
    "tpu.region"() ({
      %run_scoped3A = tpu.sem_alloc : memref<!tpu.dma_semaphore, #tpu.memory_space<semaphore_mem>>
      %dma_start3A = arith.constant 0 : i32
      %dma_start3A_28 = tpu.memref_slice %arg5[%add3A_27, %dma_start3A] : memref<20224x128xf32, #tpu.memory_space<hbm>> -> memref<632x128xf32, #tpu.memory_space<hbm>>
      %dma_start3A_29 = arith.constant 0 : i32
      %dma_start3A_30 = tpu.memref_slice %arg9[%mul3A_22, %dma_start3A_29] : memref<10112x128xf32, #tpu.memory_space<vmem_shared>> -> memref<632x128xf32, #tpu.memory_space<vmem_shared>>
      tpu.enqueue_dma source(%dma_start3A_30 : memref<632x128xf32, #tpu.memory_space<vmem_shared>>) target(%dma_start3A_28 : memref<632x128xf32, #tpu.memory_space<hbm>>) target_semaphore(%run_scoped3A : memref<!tpu.dma_semaphore, #tpu.memory_space<semaphore_mem>>)
      %dma_wait3A = arith.constant 0 : i32
      %dma_wait3A_31 = tpu.memref_slice %arg5[%add3A_27, %dma_wait3A] : memref<20224x128xf32, #tpu.memory_space<hbm>> -> memref<632x128xf32, #tpu.memory_space<hbm>>
      %dma_wait3A_32 = arith.constant 0 : i32
      %dma_wait3A_33 = tpu.memref_slice %arg9[%mul3A_22, %dma_wait3A_32] : memref<10112x128xf32, #tpu.memory_space<vmem_shared>> -> memref<632x128xf32, #tpu.memory_space<vmem_shared>>
      tpu.wait_dma2 semaphore(%run_scoped3A : memref<!tpu.dma_semaphore, #tpu.memory_space<semaphore_mem>>) src(%dma_wait3A_33 : memref<632x128xf32, #tpu.memory_space<vmem_shared>>) dst(%dma_wait3A_31 : memref<632x128xf32, #tpu.memory_space<hbm>>)
      tpu.yield
    }) : () -> ()
    return
  }
}

#map = affine_map<(d0, d1) -> (0, 0, 0)>
module attributes {stable_mosaic.version = 14 : i64} {
  func.func @run(%arg0: i32, %arg1: i32, %arg2: memref<16x80x128xi32, #tpu.memory_space<hbm>>, %arg3: memref<2x10112x16xf32, #tpu.memory_space<hbm>>, %arg4: memref<80x128xi32, #tpu.memory_space<vmem>>, %arg5: memref<128x16xf32, #tpu.memory_space<vmem>>, %arg6: memref<10112x16xf32, #tpu.memory_space<vmem_shared>>) attributes {dimension_semantics = [#tpu.dimension_semantics<core_parallel>, #tpu.dimension_semantics<subcore_parallel>], iteration_bounds = array<i64: 2, 16>, scalar_prefetch = 0 : i64, scratch_operands = 3 : i64, tpu.core_type = #tpu.core_type<sc_vector_subcore>, window_params = [{transform_indices = #map}, {transform_indices = #map}]} {
    "tpu.region"() ({
      %run_scoped3A = tpu.sem_alloc : memref<!tpu.dma_semaphore, #tpu.memory_space<semaphore_mem>>
      %dma_start3A = arith.constant 0 : i32
      %dma_start3A_25 = arith.constant 0 : i32
      %dma_start3A_26 = tpu.memref_slice %arg2[%arg1, %dma_start3A, %dma_start3A_25] : memref<16x80x128xi32, #tpu.memory_space<hbm>> -> memref<1x80x128xi32, #tpu.memory_space<hbm>>
      %dma_start3A_27 = tpu.memref_squeeze %dma_start3A_26 : memref<1x80x128xi32, #tpu.memory_space<hbm>> -> memref<80x128xi32, #tpu.memory_space<hbm>>
      %dma_start3A_28 = arith.constant 0 : i32
      %dma_start3A_29 = arith.constant 0 : i32
      %dma_start3A_30 = tpu.memref_slice %arg2[%arg1, %dma_start3A_28, %dma_start3A_29] : memref<16x80x128xi32, #tpu.memory_space<hbm>> -> memref<1x80x128xi32, #tpu.memory_space<hbm>>
      %dma_start3A_31 = tpu.memref_squeeze %dma_start3A_30 : memref<1x80x128xi32, #tpu.memory_space<hbm>> -> memref<80x128xi32, #tpu.memory_space<hbm>>
      tpu.enqueue_dma source(%dma_start3A_31 : memref<80x128xi32, #tpu.memory_space<hbm>>) target(%arg4 : memref<80x128xi32, #tpu.memory_space<vmem>>) target_semaphore(%run_scoped3A : memref<!tpu.dma_semaphore, #tpu.memory_space<semaphore_mem>>)
      %dma_wait3A = arith.constant 0 : i32
      %dma_wait3A_32 = arith.constant 0 : i32
      %dma_wait3A_33 = tpu.memref_slice %arg2[%arg1, %dma_wait3A, %dma_wait3A_32] : memref<16x80x128xi32, #tpu.memory_space<hbm>> -> memref<1x80x128xi32, #tpu.memory_space<hbm>>
      %dma_wait3A_34 = tpu.memref_squeeze %dma_wait3A_33 : memref<1x80x128xi32, #tpu.memory_space<hbm>> -> memref<80x128xi32, #tpu.memory_space<hbm>>
      %dma_wait3A_35 = arith.constant 0 : i32
      %dma_wait3A_36 = arith.constant 0 : i32
      %dma_wait3A_37 = tpu.memref_slice %arg2[%arg1, %dma_wait3A_35, %dma_wait3A_36] : memref<16x80x128xi32, #tpu.memory_space<hbm>> -> memref<1x80x128xi32, #tpu.memory_space<hbm>>
      %dma_wait3A_38 = tpu.memref_squeeze %dma_wait3A_37 : memref<1x80x128xi32, #tpu.memory_space<hbm>> -> memref<80x128xi32, #tpu.memory_space<hbm>>
      tpu.wait_dma2 semaphore(%run_scoped3A : memref<!tpu.dma_semaphore, #tpu.memory_space<semaphore_mem>>) src(%dma_wait3A_38 : memref<80x128xi32, #tpu.memory_space<hbm>>) dst(%arg4 : memref<80x128xi32, #tpu.memory_space<vmem>>)
      tpu.yield
    }) : () -> ()
    %broadcast_in_dim3A = arith.constant 1.000000e+00 : f32
    %broadcast_in_dim3A_0 = vector.broadcast %broadcast_in_dim3A : f32 to vector<16xf32>
    %scan3A = arith.constant 0 : i32
    %scan3A_1 = arith.constant 128 : i32
    %scan3A_2 = arith.addi %scan3A, %scan3A_1 : i32
    %scan3A_3 = arith.constant 1 : i32
    scf.for %scan3A_25 = %scan3A to %scan3A_2 step %scan3A_3  : i32 {
      %mul3A_26 = arith.constant 1 : i32
      %mul3A_27 = arith.muli %scan3A_25, %mul3A_26 : i32
      %add3A_28 = arith.constant 0 : i32
      %add3A_29 = arith.addi %add3A_28, %mul3A_27 : i32
      %swap3A = arith.index_cast %add3A_29 : i32 to index
      %swap3A_30 = arith.constant 0 : index
      %swap3A_31 = tpu.vector_load %arg5[%swap3A, %swap3A_30] {strides = array<i32>} : memref<128x16xf32, #tpu.memory_space<vmem>>, vector<1x16xf32>,
      %swap3A_32 = vector.shape_cast %swap3A_31 : vector<1x16xf32> to vector<16xf32>
      %swap3A_33 = vector.shape_cast %broadcast_in_dim3A_0 : vector<16xf32> to vector<1x16xf32>
      tpu.vector_store %arg5[%swap3A, %swap3A_30], %swap3A_33 {strides = array<i32>} : memref<128x16xf32, #tpu.memory_space<vmem>>, vector<1x16xf32>,
    }
    %scan3A_4 = arith.constant 128 : i32
    %mul3A = arith.constant 632 : i32
    %mul3A_5 = arith.muli %arg1, %mul3A : i32
    %add3A = arith.constant 0 : i32
    %add3A_6 = arith.addi %mul3A_5, %add3A : i32
    "tpu.region"() ({
      %run_scoped3A = tpu.sem_alloc : memref<!tpu.dma_semaphore, #tpu.memory_space<semaphore_mem>>
      %dma_start3A = arith.constant 0 : i32
      %dma_start3A_25 = tpu.memref_slice %arg6[%add3A_6, %dma_start3A] : memref<10112x16xf32, #tpu.memory_space<vmem_shared>> -> memref<128x16xf32, #tpu.memory_space<vmem_shared>>
      %dma_start3A_26 = arith.constant 0 : i32
      %dma_start3A_27 = tpu.memref_slice %arg6[%add3A_6, %dma_start3A_26] : memref<10112x16xf32, #tpu.memory_space<vmem_shared>> -> memref<128x16xf32, #tpu.memory_space<vmem_shared>>
      tpu.enqueue_dma source(%arg5 : memref<128x16xf32, #tpu.memory_space<vmem>>) target(%dma_start3A_27 : memref<128x16xf32, #tpu.memory_space<vmem_shared>>) target_semaphore(%run_scoped3A : memref<!tpu.dma_semaphore, #tpu.memory_space<semaphore_mem>>)
      %dma_wait3A = arith.constant 0 : i32
      %dma_wait3A_28 = tpu.memref_slice %arg6[%add3A_6, %dma_wait3A] : memref<10112x16xf32, #tpu.memory_space<vmem_shared>> -> memref<128x16xf32, #tpu.memory_space<vmem_shared>>
      %dma_wait3A_29 = arith.constant 0 : i32
      %dma_wait3A_30 = tpu.memref_slice %arg6[%add3A_6, %dma_wait3A_29] : memref<10112x16xf32, #tpu.memory_space<vmem_shared>> -> memref<128x16xf32, #tpu.memory_space<vmem_shared>>
      tpu.wait_dma2 semaphore(%run_scoped3A : memref<!tpu.dma_semaphore, #tpu.memory_space<semaphore_mem>>) src(%arg5 : memref<128x16xf32, #tpu.memory_space<vmem>>) dst(%dma_wait3A_30 : memref<128x16xf32, #tpu.memory_space<vmem_shared>>)
      tpu.yield
    }) : () -> ()
    %add3A_7 = arith.constant 128 : i32
    %add3A_8 = arith.addi %mul3A_5, %add3A_7 : i32
    "tpu.region"() ({
      %run_scoped3A = tpu.sem_alloc : memref<!tpu.dma_semaphore, #tpu.memory_space<semaphore_mem>>
      %dma_start3A = arith.constant 0 : i32
      %dma_start3A_25 = tpu.memref_slice %arg6[%add3A_8, %dma_start3A] : memref<10112x16xf32, #tpu.memory_space<vmem_shared>> -> memref<128x16xf32, #tpu.memory_space<vmem_shared>>
      %dma_start3A_26 = arith.constant 0 : i32
      %dma_start3A_27 = tpu.memref_slice %arg6[%add3A_8, %dma_start3A_26] : memref<10112x16xf32, #tpu.memory_space<vmem_shared>> -> memref<128x16xf32, #tpu.memory_space<vmem_shared>>
      tpu.enqueue_dma source(%arg5 : memref<128x16xf32, #tpu.memory_space<vmem>>) target(%dma_start3A_27 : memref<128x16xf32, #tpu.memory_space<vmem_shared>>) target_semaphore(%run_scoped3A : memref<!tpu.dma_semaphore, #tpu.memory_space<semaphore_mem>>)
      %dma_wait3A = arith.constant 0 : i32
      %dma_wait3A_28 = tpu.memref_slice %arg6[%add3A_8, %dma_wait3A] : memref<10112x16xf32, #tpu.memory_space<vmem_shared>> -> memref<128x16xf32, #tpu.memory_space<vmem_shared>>
      %dma_wait3A_29 = arith.constant 0 : i32
      %dma_wait3A_30 = tpu.memref_slice %arg6[%add3A_8, %dma_wait3A_29] : memref<10112x16xf32, #tpu.memory_space<vmem_shared>> -> memref<128x16xf32, #tpu.memory_space<vmem_shared>>
      tpu.wait_dma2 semaphore(%run_scoped3A : memref<!tpu.dma_semaphore, #tpu.memory_space<semaphore_mem>>) src(%arg5 : memref<128x16xf32, #tpu.memory_space<vmem>>) dst(%dma_wait3A_30 : memref<128x16xf32, #tpu.memory_space<vmem_shared>>)
      tpu.yield
    }) : () -> ()
    %add3A_9 = arith.constant 256 : i32
    %add3A_10 = arith.addi %mul3A_5, %add3A_9 : i32
    "tpu.region"() ({
      %run_scoped3A = tpu.sem_alloc : memref<!tpu.dma_semaphore, #tpu.memory_space<semaphore_mem>>
      %dma_start3A = arith.constant 0 : i32
      %dma_start3A_25 = tpu.memref_slice %arg6[%add3A_10, %dma_start3A] : memref<10112x16xf32, #tpu.memory_space<vmem_shared>> -> memref<128x16xf32, #tpu.memory_space<vmem_shared>>
      %dma_start3A_26 = arith.constant 0 : i32
      %dma_start3A_27 = tpu.memref_slice %arg6[%add3A_10, %dma_start3A_26] : memref<10112x16xf32, #tpu.memory_space<vmem_shared>> -> memref<128x16xf32, #tpu.memory_space<vmem_shared>>
      tpu.enqueue_dma source(%arg5 : memref<128x16xf32, #tpu.memory_space<vmem>>) target(%dma_start3A_27 : memref<128x16xf32, #tpu.memory_space<vmem_shared>>) target_semaphore(%run_scoped3A : memref<!tpu.dma_semaphore, #tpu.memory_space<semaphore_mem>>)
      %dma_wait3A = arith.constant 0 : i32
      %dma_wait3A_28 = tpu.memref_slice %arg6[%add3A_10, %dma_wait3A] : memref<10112x16xf32, #tpu.memory_space<vmem_shared>> -> memref<128x16xf32, #tpu.memory_space<vmem_shared>>
      %dma_wait3A_29 = arith.constant 0 : i32
      %dma_wait3A_30 = tpu.memref_slice %arg6[%add3A_10, %dma_wait3A_29] : memref<10112x16xf32, #tpu.memory_space<vmem_shared>> -> memref<128x16xf32, #tpu.memory_space<vmem_shared>>
      tpu.wait_dma2 semaphore(%run_scoped3A : memref<!tpu.dma_semaphore, #tpu.memory_space<semaphore_mem>>) src(%arg5 : memref<128x16xf32, #tpu.memory_space<vmem>>) dst(%dma_wait3A_30 : memref<128x16xf32, #tpu.memory_space<vmem_shared>>)
      tpu.yield
    }) : () -> ()
    %add3A_11 = arith.constant 384 : i32
    %add3A_12 = arith.addi %mul3A_5, %add3A_11 : i32
    "tpu.region"() ({
      %run_scoped3A = tpu.sem_alloc : memref<!tpu.dma_semaphore, #tpu.memory_space<semaphore_mem>>
      %dma_start3A = arith.constant 0 : i32
      %dma_start3A_25 = tpu.memref_slice %arg6[%add3A_12, %dma_start3A] : memref<10112x16xf32, #tpu.memory_space<vmem_shared>> -> memref<128x16xf32, #tpu.memory_space<vmem_shared>>
      %dma_start3A_26 = arith.constant 0 : i32
      %dma_start3A_27 = tpu.memref_slice %arg6[%add3A_12, %dma_start3A_26] : memref<10112x16xf32, #tpu.memory_space<vmem_shared>> -> memref<128x16xf32, #tpu.memory_space<vmem_shared>>
      tpu.enqueue_dma source(%arg5 : memref<128x16xf32, #tpu.memory_space<vmem>>) target(%dma_start3A_27 : memref<128x16xf32, #tpu.memory_space<vmem_shared>>) target_semaphore(%run_scoped3A : memref<!tpu.dma_semaphore, #tpu.memory_space<semaphore_mem>>)
      %dma_wait3A = arith.constant 0 : i32
      %dma_wait3A_28 = tpu.memref_slice %arg6[%add3A_12, %dma_wait3A] : memref<10112x16xf32, #tpu.memory_space<vmem_shared>> -> memref<128x16xf32, #tpu.memory_space<vmem_shared>>
      %dma_wait3A_29 = arith.constant 0 : i32
      %dma_wait3A_30 = tpu.memref_slice %arg6[%add3A_12, %dma_wait3A_29] : memref<10112x16xf32, #tpu.memory_space<vmem_shared>> -> memref<128x16xf32, #tpu.memory_space<vmem_shared>>
      tpu.wait_dma2 semaphore(%run_scoped3A : memref<!tpu.dma_semaphore, #tpu.memory_space<semaphore_mem>>) src(%arg5 : memref<128x16xf32, #tpu.memory_space<vmem>>) dst(%dma_wait3A_30 : memref<128x16xf32, #tpu.memory_space<vmem_shared>>)
      tpu.yield
    }) : () -> ()
    %add3A_13 = arith.constant 512 : i32
    %add3A_14 = arith.addi %mul3A_5, %add3A_13 : i32
    "tpu.region"() ({
      %run_scoped3A = tpu.sem_alloc : memref<!tpu.dma_semaphore, #tpu.memory_space<semaphore_mem>>
      %dma_start3A = arith.constant 0 : i32
      %dma_start3A_25 = arith.constant 0 : i32
      %dma_start3A_26 = tpu.memref_slice %arg5[%dma_start3A, %dma_start3A_25] : memref<128x16xf32, #tpu.memory_space<vmem>> -> memref<120x16xf32, #tpu.memory_space<vmem>>
      %dma_start3A_27 = arith.constant 0 : i32
      %dma_start3A_28 = tpu.memref_slice %arg6[%add3A_14, %dma_start3A_27] : memref<10112x16xf32, #tpu.memory_space<vmem_shared>> -> memref<120x16xf32, #tpu.memory_space<vmem_shared>>
      %dma_start3A_29 = arith.constant 0 : i32
      %dma_start3A_30 = tpu.memref_slice %arg6[%add3A_14, %dma_start3A_29] : memref<10112x16xf32, #tpu.memory_space<vmem_shared>> -> memref<120x16xf32, #tpu.memory_space<vmem_shared>>
      %dma_start3A_31 = arith.constant 0 : i32
      %dma_start3A_32 = arith.constant 0 : i32
      %dma_start3A_33 = tpu.memref_slice %arg5[%dma_start3A_31, %dma_start3A_32] : memref<128x16xf32, #tpu.memory_space<vmem>> -> memref<120x16xf32, #tpu.memory_space<vmem>>
      tpu.enqueue_dma source(%dma_start3A_33 : memref<120x16xf32, #tpu.memory_space<vmem>>) target(%dma_start3A_30 : memref<120x16xf32, #tpu.memory_space<vmem_shared>>) target_semaphore(%run_scoped3A : memref<!tpu.dma_semaphore, #tpu.memory_space<semaphore_mem>>)
      %dma_wait3A = arith.constant 0 : i32
      %dma_wait3A_34 = arith.constant 0 : i32
      %dma_wait3A_35 = tpu.memref_slice %arg5[%dma_wait3A, %dma_wait3A_34] : memref<128x16xf32, #tpu.memory_space<vmem>> -> memref<120x16xf32, #tpu.memory_space<vmem>>
      %dma_wait3A_36 = arith.constant 0 : i32
      %dma_wait3A_37 = tpu.memref_slice %arg6[%add3A_14, %dma_wait3A_36] : memref<10112x16xf32, #tpu.memory_space<vmem_shared>> -> memref<120x16xf32, #tpu.memory_space<vmem_shared>>
      %dma_wait3A_38 = arith.constant 0 : i32
      %dma_wait3A_39 = tpu.memref_slice %arg6[%add3A_14, %dma_wait3A_38] : memref<10112x16xf32, #tpu.memory_space<vmem_shared>> -> memref<120x16xf32, #tpu.memory_space<vmem_shared>>
      %dma_wait3A_40 = arith.constant 0 : i32
      %dma_wait3A_41 = arith.constant 0 : i32
      %dma_wait3A_42 = tpu.memref_slice %arg5[%dma_wait3A_40, %dma_wait3A_41] : memref<128x16xf32, #tpu.memory_space<vmem>> -> memref<120x16xf32, #tpu.memory_space<vmem>>
      tpu.wait_dma2 semaphore(%run_scoped3A : memref<!tpu.dma_semaphore, #tpu.memory_space<semaphore_mem>>) src(%dma_wait3A_42 : memref<120x16xf32, #tpu.memory_space<vmem>>) dst(%dma_wait3A_39 : memref<120x16xf32, #tpu.memory_space<vmem_shared>>)
      tpu.yield
    }) : () -> ()
    %barrier3A = arith.constant 0 : index
    tpu.barrier barrier_id(%barrier3A)
    %scan3A_15 = arith.constant 0 : i32
    %scan3A_16 = arith.constant 40 : i32
    %scan3A_17 = arith.addi %scan3A_15, %scan3A_16 : i32
    %scan3A_18 = arith.constant 1 : i32
    scf.for %scan3A_25 = %scan3A_15 to %scan3A_17 step %scan3A_18  : i32 {
      %mul3A_26 = arith.constant 1 : i32
      %mul3A_27 = arith.muli %scan3A_25, %mul3A_26 : i32
      %add3A_28 = arith.constant 0 : i32
      %add3A_29 = arith.addi %add3A_28, %mul3A_27 : i32
      %mul3A_30 = arith.constant 40 : i32
      %mul3A_31 = arith.muli %arg0, %mul3A_30 : i32
      %add3A_32 = arith.addi %add3A_29, %mul3A_31 : i32
      "tpu.region"() ({
        %run_scoped3A = tpu.sem_alloc : memref<!tpu.dma_semaphore, #tpu.memory_space<semaphore_mem>>
        %dma_start3A = arith.constant 0 : i32
        %dma_start3A_33 = tpu.memref_slice %arg4[%add3A_32, %dma_start3A] : memref<80x128xi32, #tpu.memory_space<vmem>> -> memref<1x128xi32, #tpu.memory_space<vmem>>
        %dma_start3A_34 = tpu.memref_squeeze %dma_start3A_33 : memref<1x128xi32, #tpu.memory_space<vmem>> -> memref<128xi32, #tpu.memory_space<vmem>>
        %dma_start3A_35 = arith.constant 0 : i32
        %dma_start3A_36 = arith.constant 0 : i32
        %dma_start3A_37 = tpu.memref_slice %arg6[%dma_start3A_35, %dma_start3A_36] : memref<10112x16xf32, #tpu.memory_space<vmem_shared>> -> memref<10112x16xf32, #tpu.memory_space<vmem_shared>>
        tpu.enqueue_indirect_dma source(%arg5 : memref<128x16xf32, #tpu.memory_space<vmem>>) target(%dma_start3A_37 : memref<10112x16xf32, #tpu.memory_space<vmem_shared>>) offsets(%dma_start3A_34 : memref<128xi32, #tpu.memory_space<vmem>>) semaphore(%run_scoped3A : memref<!tpu.dma_semaphore, #tpu.memory_space<semaphore_mem>>) {add = true}
        %dma_wait3A = arith.constant 0 : i32
        %dma_wait3A_38 = tpu.memref_slice %arg4[%add3A_32, %dma_wait3A] : memref<80x128xi32, #tpu.memory_space<vmem>> -> memref<1x128xi32, #tpu.memory_space<vmem>>
        %dma_wait3A_39 = tpu.memref_squeeze %dma_wait3A_38 : memref<1x128xi32, #tpu.memory_space<vmem>> -> memref<128xi32, #tpu.memory_space<vmem>>
        %dma_wait3A_40 = arith.constant 0 : i32
        %dma_wait3A_41 = arith.constant 0 : i32
        %dma_wait3A_42 = tpu.memref_slice %arg6[%dma_wait3A_40, %dma_wait3A_41] : memref<10112x16xf32, #tpu.memory_space<vmem_shared>> -> memref<10112x16xf32, #tpu.memory_space<vmem_shared>>
        tpu.wait_indirect_dma semaphore(%run_scoped3A : memref<!tpu.dma_semaphore, #tpu.memory_space<semaphore_mem>>) src(%arg5 : memref<128x16xf32, #tpu.memory_space<vmem>>) dst(%dma_wait3A_42 : memref<10112x16xf32, #tpu.memory_space<vmem_shared>>)
        tpu.yield
      }) : () -> ()
    }
    %scan3A_19 = arith.constant 40 : i32
    %barrier3A_20 = arith.constant 0 : index
    tpu.barrier barrier_id(%barrier3A_20)
    %mul3A_21 = arith.constant 632 : i32
    %mul3A_22 = arith.muli %arg1, %mul3A_21 : i32
    %mul3A_23 = arith.constant 632 : i32
    %mul3A_24 = arith.muli %arg1, %mul3A_23 : i32
    "tpu.region"() ({
      %run_scoped3A = tpu.sem_alloc : memref<!tpu.dma_semaphore, #tpu.memory_space<semaphore_mem>>
      %dma_start3A = arith.constant 0 : i32
      %dma_start3A_25 = tpu.memref_slice %arg3[%arg0, %mul3A_24, %dma_start3A] : memref<2x10112x16xf32, #tpu.memory_space<hbm>> -> memref<1x632x16xf32, #tpu.memory_space<hbm>>
      %dma_start3A_26 = tpu.memref_squeeze %dma_start3A_25 : memref<1x632x16xf32, #tpu.memory_space<hbm>> -> memref<632x16xf32, #tpu.memory_space<hbm>>
      %dma_start3A_27 = arith.constant 0 : i32
      %dma_start3A_28 = tpu.memref_slice %arg6[%mul3A_22, %dma_start3A_27] : memref<10112x16xf32, #tpu.memory_space<vmem_shared>> -> memref<632x16xf32, #tpu.memory_space<vmem_shared>>
      tpu.enqueue_dma source(%dma_start3A_28 : memref<632x16xf32, #tpu.memory_space<vmem_shared>>) target(%dma_start3A_26 : memref<632x16xf32, #tpu.memory_space<hbm>>) target_semaphore(%run_scoped3A : memref<!tpu.dma_semaphore, #tpu.memory_space<semaphore_mem>>)
      %dma_wait3A = arith.constant 0 : i32
      %dma_wait3A_29 = tpu.memref_slice %arg3[%arg0, %mul3A_24, %dma_wait3A] : memref<2x10112x16xf32, #tpu.memory_space<hbm>> -> memref<1x632x16xf32, #tpu.memory_space<hbm>>
      %dma_wait3A_30 = tpu.memref_squeeze %dma_wait3A_29 : memref<1x632x16xf32, #tpu.memory_space<hbm>> -> memref<632x16xf32, #tpu.memory_space<hbm>>
      %dma_wait3A_31 = arith.constant 0 : i32
      %dma_wait3A_32 = tpu.memref_slice %arg6[%mul3A_22, %dma_wait3A_31] : memref<10112x16xf32, #tpu.memory_space<vmem_shared>> -> memref<632x16xf32, #tpu.memory_space<vmem_shared>>
      tpu.wait_dma2 semaphore(%run_scoped3A : memref<!tpu.dma_semaphore, #tpu.memory_space<semaphore_mem>>) src(%dma_wait3A_32 : memref<632x16xf32, #tpu.memory_space<vmem_shared>>) dst(%dma_wait3A_30 : memref<632x16xf32, #tpu.memory_space<hbm>>)
      tpu.yield
    }) : () -> ()
    return
  }
}

#map = affine_map<(d0, d1) -> (0, 0)>
#map1 = affine_map<(d0, d1) -> (0, 0, 0, 0)>
#map2 = affine_map<(d0, d1) -> (0, 0, 0)>
module attributes {stable_mosaic.version = 14 : i64} {
  func.func @run(%arg0: i32, %arg1: i32, %arg2: memref<20224x128xf32, #tpu.memory_space<hbm>>, %arg3: memref<2x16x80x128xi32, #tpu.memory_space<hbm>>, %arg4: memref<16x80x128xi32, #tpu.memory_space<hbm>>, %arg5: memref<20224x128xf32, #tpu.memory_space<hbm>>, %arg6: memref<80x128xi32, #tpu.memory_space<vmem>>, %arg7: memref<80x128xi32, #tpu.memory_space<vmem>>, %arg8: memref<128x128xf32, #tpu.memory_space<vmem>>, %arg9: memref<10112x128xf32, #tpu.memory_space<vmem_shared>>) attributes {dimension_semantics = [#tpu.dimension_semantics<core_parallel>, #tpu.dimension_semantics<subcore_parallel>], iteration_bounds = array<i64: 2, 16>, scalar_prefetch = 0 : i64, scratch_operands = 4 : i64, tpu.core_type = #tpu.core_type<sc_vector_subcore>, window_params = [{transform_indices = #map}, {transform_indices = #map1}, {transform_indices = #map2}, {transform_indices = #map}]} {
    "tpu.region"() ({
      %run_scoped3A = tpu.sem_alloc : memref<!tpu.dma_semaphore, #tpu.memory_space<semaphore_mem>>
      %dma_start3A = arith.constant 0 : i32
      %dma_start3A_28 = arith.constant 0 : i32
      %dma_start3A_29 = tpu.memref_slice %arg3[%arg0, %arg1, %dma_start3A, %dma_start3A_28] : memref<2x16x80x128xi32, #tpu.memory_space<hbm>> -> memref<1x1x80x128xi32, #tpu.memory_space<hbm>>
      %dma_start3A_30 = tpu.memref_squeeze %dma_start3A_29 : memref<1x1x80x128xi32, #tpu.memory_space<hbm>> -> memref<80x128xi32, #tpu.memory_space<hbm>>
      %dma_start3A_31 = arith.constant 0 : i32
      %dma_start3A_32 = arith.constant 0 : i32
      %dma_start3A_33 = tpu.memref_slice %arg3[%arg0, %arg1, %dma_start3A_31, %dma_start3A_32] : memref<2x16x80x128xi32, #tpu.memory_space<hbm>> -> memref<1x1x80x128xi32, #tpu.memory_space<hbm>>
      %dma_start3A_34 = tpu.memref_squeeze %dma_start3A_33 : memref<1x1x80x128xi32, #tpu.memory_space<hbm>> -> memref<80x128xi32, #tpu.memory_space<hbm>>
      tpu.enqueue_dma source(%dma_start3A_34 : memref<80x128xi32, #tpu.memory_space<hbm>>) target(%arg6 : memref<80x128xi32, #tpu.memory_space<vmem>>) target_semaphore(%run_scoped3A : memref<!tpu.dma_semaphore, #tpu.memory_space<semaphore_mem>>)
      %dma_wait3A = arith.constant 0 : i32
      %dma_wait3A_35 = arith.constant 0 : i32
      %dma_wait3A_36 = tpu.memref_slice %arg3[%arg0, %arg1, %dma_wait3A, %dma_wait3A_35] : memref<2x16x80x128xi32, #tpu.memory_space<hbm>> -> memref<1x1x80x128xi32, #tpu.memory_space<hbm>>
      %dma_wait3A_37 = tpu.memref_squeeze %dma_wait3A_36 : memref<1x1x80x128xi32, #tpu.memory_space<hbm>> -> memref<80x128xi32, #tpu.memory_space<hbm>>
      %dma_wait3A_38 = arith.constant 0 : i32
      %dma_wait3A_39 = arith.constant 0 : i32
      %dma_wait3A_40 = tpu.memref_slice %arg3[%arg0, %arg1, %dma_wait3A_38, %dma_wait3A_39] : memref<2x16x80x128xi32, #tpu.memory_space<hbm>> -> memref<1x1x80x128xi32, #tpu.memory_space<hbm>>
      %dma_wait3A_41 = tpu.memref_squeeze %dma_wait3A_40 : memref<1x1x80x128xi32, #tpu.memory_space<hbm>> -> memref<80x128xi32, #tpu.memory_space<hbm>>
      tpu.wait_dma2 semaphore(%run_scoped3A : memref<!tpu.dma_semaphore, #tpu.memory_space<semaphore_mem>>) src(%dma_wait3A_41 : memref<80x128xi32, #tpu.memory_space<hbm>>) dst(%arg6 : memref<80x128xi32, #tpu.memory_space<vmem>>)
      tpu.yield
    }) : () -> ()
    "tpu.region"() ({
      %run_scoped3A = tpu.sem_alloc : memref<!tpu.dma_semaphore, #tpu.memory_space<semaphore_mem>>
      %dma_start3A = arith.constant 0 : i32
      %dma_start3A_28 = arith.constant 0 : i32
      %dma_start3A_29 = tpu.memref_slice %arg4[%arg1, %dma_start3A, %dma_start3A_28] : memref<16x80x128xi32, #tpu.memory_space<hbm>> -> memref<1x80x128xi32, #tpu.memory_space<hbm>>
      %dma_start3A_30 = tpu.memref_squeeze %dma_start3A_29 : memref<1x80x128xi32, #tpu.memory_space<hbm>> -> memref<80x128xi32, #tpu.memory_space<hbm>>
      %dma_start3A_31 = arith.constant 0 : i32
      %dma_start3A_32 = arith.constant 0 : i32
      %dma_start3A_33 = tpu.memref_slice %arg4[%arg1, %dma_start3A_31, %dma_start3A_32] : memref<16x80x128xi32, #tpu.memory_space<hbm>> -> memref<1x80x128xi32, #tpu.memory_space<hbm>>
      %dma_start3A_34 = tpu.memref_squeeze %dma_start3A_33 : memref<1x80x128xi32, #tpu.memory_space<hbm>> -> memref<80x128xi32, #tpu.memory_space<hbm>>
      tpu.enqueue_dma source(%dma_start3A_34 : memref<80x128xi32, #tpu.memory_space<hbm>>) target(%arg7 : memref<80x128xi32, #tpu.memory_space<vmem>>) target_semaphore(%run_scoped3A : memref<!tpu.dma_semaphore, #tpu.memory_space<semaphore_mem>>)
      %dma_wait3A = arith.constant 0 : i32
      %dma_wait3A_35 = arith.constant 0 : i32
      %dma_wait3A_36 = tpu.memref_slice %arg4[%arg1, %dma_wait3A, %dma_wait3A_35] : memref<16x80x128xi32, #tpu.memory_space<hbm>> -> memref<1x80x128xi32, #tpu.memory_space<hbm>>
      %dma_wait3A_37 = tpu.memref_squeeze %dma_wait3A_36 : memref<1x80x128xi32, #tpu.memory_space<hbm>> -> memref<80x128xi32, #tpu.memory_space<hbm>>
      %dma_wait3A_38 = arith.constant 0 : i32
      %dma_wait3A_39 = arith.constant 0 : i32
      %dma_wait3A_40 = tpu.memref_slice %arg4[%arg1, %dma_wait3A_38, %dma_wait3A_39] : memref<16x80x128xi32, #tpu.memory_space<hbm>> -> memref<1x80x128xi32, #tpu.memory_space<hbm>>
      %dma_wait3A_41 = tpu.memref_squeeze %dma_wait3A_40 : memref<1x80x128xi32, #tpu.memory_space<hbm>> -> memref<80x128xi32, #tpu.memory_space<hbm>>
      tpu.wait_dma2 semaphore(%run_scoped3A : memref<!tpu.dma_semaphore, #tpu.memory_space<semaphore_mem>>) src(%dma_wait3A_41 : memref<80x128xi32, #tpu.memory_space<hbm>>) dst(%arg7 : memref<80x128xi32, #tpu.memory_space<vmem>>)
      tpu.yield
    }) : () -> ()
    %broadcast_in_dim3A = arith.constant 0.000000e+00 : f32
    %broadcast_in_dim3A_0 = vector.broadcast %broadcast_in_dim3A : f32 to vector<16xf32>
    %scan3A = arith.constant 0 : i32
    %scan3A_1 = arith.constant 128 : i32
    %scan3A_2 = arith.addi %scan3A, %scan3A_1 : i32
    %scan3A_3 = arith.constant 1 : i32
    scf.for %scan3A_28 = %scan3A to %scan3A_2 step %scan3A_3  : i32 {
      %mul3A_29 = arith.constant 1 : i32
      %mul3A_30 = arith.muli %scan3A_28, %mul3A_29 : i32
      %add3A_31 = arith.constant 0 : i32
      %add3A_32 = arith.addi %add3A_31, %mul3A_30 : i32
      %swap3A = arith.index_cast %add3A_32 : i32 to index
      %swap3A_33 = arith.constant 0 : index
      %swap3A_34 = tpu.vector_load %arg8[%swap3A, %swap3A_33] {strides = array<i32>} : memref<128x128xf32, #tpu.memory_space<vmem>>, vector<1x16xf32>,
      %swap3A_35 = vector.shape_cast %swap3A_34 : vector<1x16xf32> to vector<16xf32>
      %swap3A_36 = vector.shape_cast %broadcast_in_dim3A_0 : vector<16xf32> to vector<1x16xf32>
      tpu.vector_store %arg8[%swap3A, %swap3A_33], %swap3A_36 {strides = array<i32>} : memref<128x128xf32, #tpu.memory_space<vmem>>, vector<1x16xf32>,
      %swap3A_37 = arith.index_cast %add3A_32 : i32 to index
      %swap3A_38 = arith.constant 16 : index
      %swap3A_39 = tpu.vector_load %arg8[%swap3A_37, %swap3A_38] {strides = array<i32>} : memref<128x128xf32, #tpu.memory_space<vmem>>, vector<1x16xf32>,
      %swap3A_40 = vector.shape_cast %swap3A_39 : vector<1x16xf32> to vector<16xf32>
      %swap3A_41 = vector.shape_cast %broadcast_in_dim3A_0 : vector<16xf32> to vector<1x16xf32>
      tpu.vector_store %arg8[%swap3A_37, %swap3A_38], %swap3A_41 {strides = array<i32>} : memref<128x128xf32, #tpu.memory_space<vmem>>, vector<1x16xf32>,
      %swap3A_42 = arith.index_cast %add3A_32 : i32 to index
      %swap3A_43 = arith.constant 32 : index
      %swap3A_44 = tpu.vector_load %arg8[%swap3A_42, %swap3A_43] {strides = array<i32>} : memref<128x128xf32, #tpu.memory_space<vmem>>, vector<1x16xf32>,
      %swap3A_45 = vector.shape_cast %swap3A_44 : vector<1x16xf32> to vector<16xf32>
      %swap3A_46 = vector.shape_cast %broadcast_in_dim3A_0 : vector<16xf32> to vector<1x16xf32>
      tpu.vector_store %arg8[%swap3A_42, %swap3A_43], %swap3A_46 {strides = array<i32>} : memref<128x128xf32, #tpu.memory_space<vmem>>, vector<1x16xf32>,
      %swap3A_47 = arith.index_cast %add3A_32 : i32 to index
      %swap3A_48 = arith.constant 48 : index
      %swap3A_49 = tpu.vector_load %arg8[%swap3A_47, %swap3A_48] {strides = array<i32>} : memref<128x128xf32, #tpu.memory_space<vmem>>, vector<1x16xf32>,
      %swap3A_50 = vector.shape_cast %swap3A_49 : vector<1x16xf32> to vector<16xf32>
      %swap3A_51 = vector.shape_cast %broadcast_in_dim3A_0 : vector<16xf32> to vector<1x16xf32>
      tpu.vector_store %arg8[%swap3A_47, %swap3A_48], %swap3A_51 {strides = array<i32>} : memref<128x128xf32, #tpu.memory_space<vmem>>, vector<1x16xf32>,
      %swap3A_52 = arith.index_cast %add3A_32 : i32 to index
      %swap3A_53 = arith.constant 64 : index
      %swap3A_54 = tpu.vector_load %arg8[%swap3A_52, %swap3A_53] {strides = array<i32>} : memref<128x128xf32, #tpu.memory_space<vmem>>, vector<1x16xf32>,
      %swap3A_55 = vector.shape_cast %swap3A_54 : vector<1x16xf32> to vector<16xf32>
      %swap3A_56 = vector.shape_cast %broadcast_in_dim3A_0 : vector<16xf32> to vector<1x16xf32>
      tpu.vector_store %arg8[%swap3A_52, %swap3A_53], %swap3A_56 {strides = array<i32>} : memref<128x128xf32, #tpu.memory_space<vmem>>, vector<1x16xf32>,
      %swap3A_57 = arith.index_cast %add3A_32 : i32 to index
      %swap3A_58 = arith.constant 80 : index
      %swap3A_59 = tpu.vector_load %arg8[%swap3A_57, %swap3A_58] {strides = array<i32>} : memref<128x128xf32, #tpu.memory_space<vmem>>, vector<1x16xf32>,
      %swap3A_60 = vector.shape_cast %swap3A_59 : vector<1x16xf32> to vector<16xf32>
      %swap3A_61 = vector.shape_cast %broadcast_in_dim3A_0 : vector<16xf32> to vector<1x16xf32>
      tpu.vector_store %arg8[%swap3A_57, %swap3A_58], %swap3A_61 {strides = array<i32>} : memref<128x128xf32, #tpu.memory_space<vmem>>, vector<1x16xf32>,
      %swap3A_62 = arith.index_cast %add3A_32 : i32 to index
      %swap3A_63 = arith.constant 96 : index
      %swap3A_64 = tpu.vector_load %arg8[%swap3A_62, %swap3A_63] {strides = array<i32>} : memref<128x128xf32, #tpu.memory_space<vmem>>, vector<1x16xf32>,
      %swap3A_65 = vector.shape_cast %swap3A_64 : vector<1x16xf32> to vector<16xf32>
      %swap3A_66 = vector.shape_cast %broadcast_in_dim3A_0 : vector<16xf32> to vector<1x16xf32>
      tpu.vector_store %arg8[%swap3A_62, %swap3A_63], %swap3A_66 {strides = array<i32>} : memref<128x128xf32, #tpu.memory_space<vmem>>, vector<1x16xf32>,
      %swap3A_67 = arith.index_cast %add3A_32 : i32 to index
      %swap3A_68 = arith.constant 112 : index
      %swap3A_69 = tpu.vector_load %arg8[%swap3A_67, %swap3A_68] {strides = array<i32>} : memref<128x128xf32, #tpu.memory_space<vmem>>, vector<1x16xf32>,
      %swap3A_70 = vector.shape_cast %swap3A_69 : vector<1x16xf32> to vector<16xf32>
      %swap3A_71 = vector.shape_cast %broadcast_in_dim3A_0 : vector<16xf32> to vector<1x16xf32>
      tpu.vector_store %arg8[%swap3A_67, %swap3A_68], %swap3A_71 {strides = array<i32>} : memref<128x128xf32, #tpu.memory_space<vmem>>, vector<1x16xf32>,
    }
    %scan3A_4 = arith.constant 128 : i32
    %mul3A = arith.constant 632 : i32
    %mul3A_5 = arith.muli %arg1, %mul3A : i32
    %add3A = arith.constant 0 : i32
    %add3A_6 = arith.addi %mul3A_5, %add3A : i32
    "tpu.region"() ({
      %run_scoped3A = tpu.sem_alloc : memref<!tpu.dma_semaphore, #tpu.memory_space<semaphore_mem>>
      %dma_start3A = arith.constant 0 : i32
      %dma_start3A_28 = tpu.memref_slice %arg9[%add3A_6, %dma_start3A] : memref<10112x128xf32, #tpu.memory_space<vmem_shared>> -> memref<128x128xf32, #tpu.memory_space<vmem_shared>>
      %dma_start3A_29 = arith.constant 0 : i32
      %dma_start3A_30 = tpu.memref_slice %arg9[%add3A_6, %dma_start3A_29] : memref<10112x128xf32, #tpu.memory_space<vmem_shared>> -> memref<128x128xf32, #tpu.memory_space<vmem_shared>>
      tpu.enqueue_dma source(%arg8 : memref<128x128xf32, #tpu.memory_space<vmem>>) target(%dma_start3A_30 : memref<128x128xf32, #tpu.memory_space<vmem_shared>>) target_semaphore(%run_scoped3A : memref<!tpu.dma_semaphore, #tpu.memory_space<semaphore_mem>>)
      %dma_wait3A = arith.constant 0 : i32
      %dma_wait3A_31 = tpu.memref_slice %arg9[%add3A_6, %dma_wait3A] : memref<10112x128xf32, #tpu.memory_space<vmem_shared>> -> memref<128x128xf32, #tpu.memory_space<vmem_shared>>
      %dma_wait3A_32 = arith.constant 0 : i32
      %dma_wait3A_33 = tpu.memref_slice %arg9[%add3A_6, %dma_wait3A_32] : memref<10112x128xf32, #tpu.memory_space<vmem_shared>> -> memref<128x128xf32, #tpu.memory_space<vmem_shared>>
      tpu.wait_dma2 semaphore(%run_scoped3A : memref<!tpu.dma_semaphore, #tpu.memory_space<semaphore_mem>>) src(%arg8 : memref<128x128xf32, #tpu.memory_space<vmem>>) dst(%dma_wait3A_33 : memref<128x128xf32, #tpu.memory_space<vmem_shared>>)
      tpu.yield
    }) : () -> ()
    %add3A_7 = arith.constant 128 : i32
    %add3A_8 = arith.addi %mul3A_5, %add3A_7 : i32
    "tpu.region"() ({
      %run_scoped3A = tpu.sem_alloc : memref<!tpu.dma_semaphore, #tpu.memory_space<semaphore_mem>>
      %dma_start3A = arith.constant 0 : i32
      %dma_start3A_28 = tpu.memref_slice %arg9[%add3A_8, %dma_start3A] : memref<10112x128xf32, #tpu.memory_space<vmem_shared>> -> memref<128x128xf32, #tpu.memory_space<vmem_shared>>
      %dma_start3A_29 = arith.constant 0 : i32
      %dma_start3A_30 = tpu.memref_slice %arg9[%add3A_8, %dma_start3A_29] : memref<10112x128xf32, #tpu.memory_space<vmem_shared>> -> memref<128x128xf32, #tpu.memory_space<vmem_shared>>
      tpu.enqueue_dma source(%arg8 : memref<128x128xf32, #tpu.memory_space<vmem>>) target(%dma_start3A_30 : memref<128x128xf32, #tpu.memory_space<vmem_shared>>) target_semaphore(%run_scoped3A : memref<!tpu.dma_semaphore, #tpu.memory_space<semaphore_mem>>)
      %dma_wait3A = arith.constant 0 : i32
      %dma_wait3A_31 = tpu.memref_slice %arg9[%add3A_8, %dma_wait3A] : memref<10112x128xf32, #tpu.memory_space<vmem_shared>> -> memref<128x128xf32, #tpu.memory_space<vmem_shared>>
      %dma_wait3A_32 = arith.constant 0 : i32
      %dma_wait3A_33 = tpu.memref_slice %arg9[%add3A_8, %dma_wait3A_32] : memref<10112x128xf32, #tpu.memory_space<vmem_shared>> -> memref<128x128xf32, #tpu.memory_space<vmem_shared>>
      tpu.wait_dma2 semaphore(%run_scoped3A : memref<!tpu.dma_semaphore, #tpu.memory_space<semaphore_mem>>) src(%arg8 : memref<128x128xf32, #tpu.memory_space<vmem>>) dst(%dma_wait3A_33 : memref<128x128xf32, #tpu.memory_space<vmem_shared>>)
      tpu.yield
    }) : () -> ()
    %add3A_9 = arith.constant 256 : i32
    %add3A_10 = arith.addi %mul3A_5, %add3A_9 : i32
    "tpu.region"() ({
      %run_scoped3A = tpu.sem_alloc : memref<!tpu.dma_semaphore, #tpu.memory_space<semaphore_mem>>
      %dma_start3A = arith.constant 0 : i32
      %dma_start3A_28 = tpu.memref_slice %arg9[%add3A_10, %dma_start3A] : memref<10112x128xf32, #tpu.memory_space<vmem_shared>> -> memref<128x128xf32, #tpu.memory_space<vmem_shared>>
      %dma_start3A_29 = arith.constant 0 : i32
      %dma_start3A_30 = tpu.memref_slice %arg9[%add3A_10, %dma_start3A_29] : memref<10112x128xf32, #tpu.memory_space<vmem_shared>> -> memref<128x128xf32, #tpu.memory_space<vmem_shared>>
      tpu.enqueue_dma source(%arg8 : memref<128x128xf32, #tpu.memory_space<vmem>>) target(%dma_start3A_30 : memref<128x128xf32, #tpu.memory_space<vmem_shared>>) target_semaphore(%run_scoped3A : memref<!tpu.dma_semaphore, #tpu.memory_space<semaphore_mem>>)
      %dma_wait3A = arith.constant 0 : i32
      %dma_wait3A_31 = tpu.memref_slice %arg9[%add3A_10, %dma_wait3A] : memref<10112x128xf32, #tpu.memory_space<vmem_shared>> -> memref<128x128xf32, #tpu.memory_space<vmem_shared>>
      %dma_wait3A_32 = arith.constant 0 : i32
      %dma_wait3A_33 = tpu.memref_slice %arg9[%add3A_10, %dma_wait3A_32] : memref<10112x128xf32, #tpu.memory_space<vmem_shared>> -> memref<128x128xf32, #tpu.memory_space<vmem_shared>>
      tpu.wait_dma2 semaphore(%run_scoped3A : memref<!tpu.dma_semaphore, #tpu.memory_space<semaphore_mem>>) src(%arg8 : memref<128x128xf32, #tpu.memory_space<vmem>>) dst(%dma_wait3A_33 : memref<128x128xf32, #tpu.memory_space<vmem_shared>>)
      tpu.yield
    }) : () -> ()
    %add3A_11 = arith.constant 384 : i32
    %add3A_12 = arith.addi %mul3A_5, %add3A_11 : i32
    "tpu.region"() ({
      %run_scoped3A = tpu.sem_alloc : memref<!tpu.dma_semaphore, #tpu.memory_space<semaphore_mem>>
      %dma_start3A = arith.constant 0 : i32
      %dma_start3A_28 = tpu.memref_slice %arg9[%add3A_12, %dma_start3A] : memref<10112x128xf32, #tpu.memory_space<vmem_shared>> -> memref<128x128xf32, #tpu.memory_space<vmem_shared>>
      %dma_start3A_29 = arith.constant 0 : i32
      %dma_start3A_30 = tpu.memref_slice %arg9[%add3A_12, %dma_start3A_29] : memref<10112x128xf32, #tpu.memory_space<vmem_shared>> -> memref<128x128xf32, #tpu.memory_space<vmem_shared>>
      tpu.enqueue_dma source(%arg8 : memref<128x128xf32, #tpu.memory_space<vmem>>) target(%dma_start3A_30 : memref<128x128xf32, #tpu.memory_space<vmem_shared>>) target_semaphore(%run_scoped3A : memref<!tpu.dma_semaphore, #tpu.memory_space<semaphore_mem>>)
      %dma_wait3A = arith.constant 0 : i32
      %dma_wait3A_31 = tpu.memref_slice %arg9[%add3A_12, %dma_wait3A] : memref<10112x128xf32, #tpu.memory_space<vmem_shared>> -> memref<128x128xf32, #tpu.memory_space<vmem_shared>>
      %dma_wait3A_32 = arith.constant 0 : i32
      %dma_wait3A_33 = tpu.memref_slice %arg9[%add3A_12, %dma_wait3A_32] : memref<10112x128xf32, #tpu.memory_space<vmem_shared>> -> memref<128x128xf32, #tpu.memory_space<vmem_shared>>
      tpu.wait_dma2 semaphore(%run_scoped3A : memref<!tpu.dma_semaphore, #tpu.memory_space<semaphore_mem>>) src(%arg8 : memref<128x128xf32, #tpu.memory_space<vmem>>) dst(%dma_wait3A_33 : memref<128x128xf32, #tpu.memory_space<vmem_shared>>)
      tpu.yield
    }) : () -> ()
    %add3A_13 = arith.constant 512 : i32
    %add3A_14 = arith.addi %mul3A_5, %add3A_13 : i32
    "tpu.region"() ({
      %run_scoped3A = tpu.sem_alloc : memref<!tpu.dma_semaphore, #tpu.memory_space<semaphore_mem>>
      %dma_start3A = arith.constant 0 : i32
      %dma_start3A_28 = arith.constant 0 : i32
      %dma_start3A_29 = tpu.memref_slice %arg8[%dma_start3A, %dma_start3A_28] : memref<128x128xf32, #tpu.memory_space<vmem>> -> memref<120x128xf32, #tpu.memory_space<vmem>>
      %dma_start3A_30 = arith.constant 0 : i32
      %dma_start3A_31 = tpu.memref_slice %arg9[%add3A_14, %dma_start3A_30] : memref<10112x128xf32, #tpu.memory_space<vmem_shared>> -> memref<120x128xf32, #tpu.memory_space<vmem_shared>>
      %dma_start3A_32 = arith.constant 0 : i32
      %dma_start3A_33 = tpu.memref_slice %arg9[%add3A_14, %dma_start3A_32] : memref<10112x128xf32, #tpu.memory_space<vmem_shared>> -> memref<120x128xf32, #tpu.memory_space<vmem_shared>>
      %dma_start3A_34 = arith.constant 0 : i32
      %dma_start3A_35 = arith.constant 0 : i32
      %dma_start3A_36 = tpu.memref_slice %arg8[%dma_start3A_34, %dma_start3A_35] : memref<128x128xf32, #tpu.memory_space<vmem>> -> memref<120x128xf32, #tpu.memory_space<vmem>>
      tpu.enqueue_dma source(%dma_start3A_36 : memref<120x128xf32, #tpu.memory_space<vmem>>) target(%dma_start3A_33 : memref<120x128xf32, #tpu.memory_space<vmem_shared>>) target_semaphore(%run_scoped3A : memref<!tpu.dma_semaphore, #tpu.memory_space<semaphore_mem>>)
      %dma_wait3A = arith.constant 0 : i32
      %dma_wait3A_37 = arith.constant 0 : i32
      %dma_wait3A_38 = tpu.memref_slice %arg8[%dma_wait3A, %dma_wait3A_37] : memref<128x128xf32, #tpu.memory_space<vmem>> -> memref<120x128xf32, #tpu.memory_space<vmem>>
      %dma_wait3A_39 = arith.constant 0 : i32
      %dma_wait3A_40 = tpu.memref_slice %arg9[%add3A_14, %dma_wait3A_39] : memref<10112x128xf32, #tpu.memory_space<vmem_shared>> -> memref<120x128xf32, #tpu.memory_space<vmem_shared>>
      %dma_wait3A_41 = arith.constant 0 : i32
      %dma_wait3A_42 = tpu.memref_slice %arg9[%add3A_14, %dma_wait3A_41] : memref<10112x128xf32, #tpu.memory_space<vmem_shared>> -> memref<120x128xf32, #tpu.memory_space<vmem_shared>>
      %dma_wait3A_43 = arith.constant 0 : i32
      %dma_wait3A_44 = arith.constant 0 : i32
      %dma_wait3A_45 = tpu.memref_slice %arg8[%dma_wait3A_43, %dma_wait3A_44] : memref<128x128xf32, #tpu.memory_space<vmem>> -> memref<120x128xf32, #tpu.memory_space<vmem>>
      tpu.wait_dma2 semaphore(%run_scoped3A : memref<!tpu.dma_semaphore, #tpu.memory_space<semaphore_mem>>) src(%dma_wait3A_45 : memref<120x128xf32, #tpu.memory_space<vmem>>) dst(%dma_wait3A_42 : memref<120x128xf32, #tpu.memory_space<vmem_shared>>)
      tpu.yield
    }) : () -> ()
    %barrier3A = arith.constant 0 : index
    tpu.barrier barrier_id(%barrier3A)
    %scan3A_15 = arith.constant 0 : i32
    %scan3A_16 = arith.constant 80 : i32
    %scan3A_17 = arith.addi %scan3A_15, %scan3A_16 : i32
    %scan3A_18 = arith.constant 1 : i32
    scf.for %scan3A_28 = %scan3A_15 to %scan3A_17 step %scan3A_18  : i32 {
      %mul3A_29 = arith.constant 1 : i32
      %mul3A_30 = arith.muli %scan3A_28, %mul3A_29 : i32
      %add3A_31 = arith.constant 0 : i32
      %add3A_32 = arith.addi %add3A_31, %mul3A_30 : i32
      "tpu.region"() ({
        %run_scoped3A = tpu.sem_alloc : memref<!tpu.dma_semaphore, #tpu.memory_space<semaphore_mem>>
        %dma_start3A = arith.constant 0 : i32
        %dma_start3A_33 = tpu.memref_slice %arg6[%add3A_32, %dma_start3A] : memref<80x128xi32, #tpu.memory_space<vmem>> -> memref<1x128xi32, #tpu.memory_space<vmem>>
        %dma_start3A_34 = tpu.memref_squeeze %dma_start3A_33 : memref<1x128xi32, #tpu.memory_space<vmem>> -> memref<128xi32, #tpu.memory_space<vmem>>
        %dma_start3A_35 = arith.constant 0 : i32
        %dma_start3A_36 = arith.constant 0 : i32
        %dma_start3A_37 = tpu.memref_slice %arg2[%dma_start3A_35, %dma_start3A_36] : memref<20224x128xf32, #tpu.memory_space<hbm>> -> memref<20224x128xf32, #tpu.memory_space<hbm>>
        tpu.enqueue_indirect_dma source(%dma_start3A_37 : memref<20224x128xf32, #tpu.memory_space<hbm>>) target(%arg8 : memref<128x128xf32, #tpu.memory_space<vmem>>) offsets(%dma_start3A_34 : memref<128xi32, #tpu.memory_space<vmem>>) semaphore(%run_scoped3A : memref<!tpu.dma_semaphore, #tpu.memory_space<semaphore_mem>>)
        %dma_wait3A = arith.constant 0 : i32
        %dma_wait3A_38 = tpu.memref_slice %arg6[%add3A_32, %dma_wait3A] : memref<80x128xi32, #tpu.memory_space<vmem>> -> memref<1x128xi32, #tpu.memory_space<vmem>>
        %dma_wait3A_39 = tpu.memref_squeeze %dma_wait3A_38 : memref<1x128xi32, #tpu.memory_space<vmem>> -> memref<128xi32, #tpu.memory_space<vmem>>
        %dma_wait3A_40 = arith.constant 0 : i32
        %dma_wait3A_41 = arith.constant 0 : i32
        %dma_wait3A_42 = tpu.memref_slice %arg2[%dma_wait3A_40, %dma_wait3A_41] : memref<20224x128xf32, #tpu.memory_space<hbm>> -> memref<20224x128xf32, #tpu.memory_space<hbm>>
        tpu.wait_indirect_dma semaphore(%run_scoped3A : memref<!tpu.dma_semaphore, #tpu.memory_space<semaphore_mem>>) src(%dma_wait3A_42 : memref<20224x128xf32, #tpu.memory_space<hbm>>) dst(%arg8 : memref<128x128xf32, #tpu.memory_space<vmem>>)
        tpu.yield
      }) : () -> ()
      "tpu.region"() ({
        %run_scoped3A = tpu.sem_alloc : memref<!tpu.dma_semaphore, #tpu.memory_space<semaphore_mem>>
        %dma_start3A = arith.constant 0 : i32
        %dma_start3A_33 = tpu.memref_slice %arg7[%add3A_32, %dma_start3A] : memref<80x128xi32, #tpu.memory_space<vmem>> -> memref<1x128xi32, #tpu.memory_space<vmem>>
        %dma_start3A_34 = tpu.memref_squeeze %dma_start3A_33 : memref<1x128xi32, #tpu.memory_space<vmem>> -> memref<128xi32, #tpu.memory_space<vmem>>
        %dma_start3A_35 = arith.constant 0 : i32
        %dma_start3A_36 = arith.constant 0 : i32
        %dma_start3A_37 = tpu.memref_slice %arg9[%dma_start3A_35, %dma_start3A_36] : memref<10112x128xf32, #tpu.memory_space<vmem_shared>> -> memref<10112x128xf32, #tpu.memory_space<vmem_shared>>
        tpu.enqueue_indirect_dma source(%arg8 : memref<128x128xf32, #tpu.memory_space<vmem>>) target(%dma_start3A_37 : memref<10112x128xf32, #tpu.memory_space<vmem_shared>>) offsets(%dma_start3A_34 : memref<128xi32, #tpu.memory_space<vmem>>) semaphore(%run_scoped3A : memref<!tpu.dma_semaphore, #tpu.memory_space<semaphore_mem>>) {add = true}
        %dma_wait3A = arith.constant 0 : i32
        %dma_wait3A_38 = tpu.memref_slice %arg7[%add3A_32, %dma_wait3A] : memref<80x128xi32, #tpu.memory_space<vmem>> -> memref<1x128xi32, #tpu.memory_space<vmem>>
        %dma_wait3A_39 = tpu.memref_squeeze %dma_wait3A_38 : memref<1x128xi32, #tpu.memory_space<vmem>> -> memref<128xi32, #tpu.memory_space<vmem>>
        %dma_wait3A_40 = arith.constant 0 : i32
        %dma_wait3A_41 = arith.constant 0 : i32
        %dma_wait3A_42 = tpu.memref_slice %arg9[%dma_wait3A_40, %dma_wait3A_41] : memref<10112x128xf32, #tpu.memory_space<vmem_shared>> -> memref<10112x128xf32, #tpu.memory_space<vmem_shared>>
        tpu.wait_indirect_dma semaphore(%run_scoped3A : memref<!tpu.dma_semaphore, #tpu.memory_space<semaphore_mem>>) src(%arg8 : memref<128x128xf32, #tpu.memory_space<vmem>>) dst(%dma_wait3A_42 : memref<10112x128xf32, #tpu.memory_space<vmem_shared>>)
        tpu.yield
      }) : () -> ()
    }
    %scan3A_19 = arith.constant 80 : i32
    %barrier3A_20 = arith.constant 0 : index
    tpu.barrier barrier_id(%barrier3A_20)
    %mul3A_21 = arith.constant 632 : i32
    %mul3A_22 = arith.muli %arg1, %mul3A_21 : i32
    %mul3A_23 = arith.constant 10112 : i32
    %mul3A_24 = arith.muli %arg0, %mul3A_23 : i32
    %mul3A_25 = arith.constant 632 : i32
    %mul3A_26 = arith.muli %arg1, %mul3A_25 : i32
    %add3A_27 = arith.addi %mul3A_24, %mul3A_26 : i32
    "tpu.region"() ({
      %run_scoped3A = tpu.sem_alloc : memref<!tpu.dma_semaphore, #tpu.memory_space<semaphore_mem>>
      %dma_start3A = arith.constant 0 : i32
      %dma_start3A_28 = tpu.memref_slice %arg5[%add3A_27, %dma_start3A] : memref<20224x128xf32, #tpu.memory_space<hbm>> -> memref<632x128xf32, #tpu.memory_space<hbm>>
      %dma_start3A_29 = arith.constant 0 : i32
      %dma_start3A_30 = tpu.memref_slice %arg9[%mul3A_22, %dma_start3A_29] : memref<10112x128xf32, #tpu.memory_space<vmem_shared>> -> memref<632x128xf32, #tpu.memory_space<vmem_shared>>
      tpu.enqueue_dma source(%dma_start3A_30 : memref<632x128xf32, #tpu.memory_space<vmem_shared>>) target(%dma_start3A_28 : memref<632x128xf32, #tpu.memory_space<hbm>>) target_semaphore(%run_scoped3A : memref<!tpu.dma_semaphore, #tpu.memory_space<semaphore_mem>>)
      %dma_wait3A = arith.constant 0 : i32
      %dma_wait3A_31 = tpu.memref_slice %arg5[%add3A_27, %dma_wait3A] : memref<20224x128xf32, #tpu.memory_space<hbm>> -> memref<632x128xf32, #tpu.memory_space<hbm>>
      %dma_wait3A_32 = arith.constant 0 : i32
      %dma_wait3A_33 = tpu.memref_slice %arg9[%mul3A_22, %dma_wait3A_32] : memref<10112x128xf32, #tpu.memory_space<vmem_shared>> -> memref<632x128xf32, #tpu.memory_space<vmem_shared>>
      tpu.wait_dma2 semaphore(%run_scoped3A : memref<!tpu.dma_semaphore, #tpu.memory_space<semaphore_mem>>) src(%dma_wait3A_33 : memref<632x128xf32, #tpu.memory_space<vmem_shared>>) dst(%dma_wait3A_31 : memref<632x128xf32, #tpu.memory_space<hbm>>)
      tpu.yield
    }) : () -> ()
    return
  }
}

module attributes {stable_mosaic.version = 14 : i64} {
  func.func @body(%arg0: i32, %arg1: memref<2000x256xf32, #tpu.memory_space<vmem>>, %arg2: memref<256x256xf32, #tpu.memory_space<vmem>>, %arg3: memref<2x2000x16xf32, #tpu.memory_space<vmem>>, %arg4: memref<2x2000x128xf32, #tpu.memory_space<vmem>>) attributes {dimension_semantics = [#tpu.dimension_semantics<arbitrary>], iteration_bounds = array<i64: 5>, scalar_prefetch = 0 : i64, scratch_operands = 0 : i64, tpu.core_type = #tpu.core_type<tc>, window_params = [{transform_indices = @transform_0, window_bounds = array<i64: 2000, 256>}, {pipeline_mode = #tpu.pipeline_mode<synchronous>, transform_indices = @transform_1, window_bounds = array<i64: 256, 256>}, {transform_indices = @transform_2, window_bounds = array<i64: 2, 2000, 16>}, {transform_indices = @transform_3, window_bounds = array<i64: 2, 2000, 128>}]} {
    %get3A = arith.constant 0 : index
    %get3A_0 = arith.constant 0 : index
    %get3A_1 = arith.constant 0 : index
    %get3A_2 = vector.load %arg3[%get3A, %get3A_0, %get3A_1] : memref<2x2000x16xf32, #tpu.memory_space<vmem>>, vector<1x2000x1xf32>
    %get3A_3 = vector.shape_cast %get3A_2 : vector<1x2000x1xf32> to vector<2000x1xf32>
    %get3A_4 = arith.constant 1 : index
    %get3A_5 = arith.constant 0 : index
    %get3A_6 = arith.constant 0 : index
    %get3A_7 = vector.load %arg3[%get3A_4, %get3A_5, %get3A_6] : memref<2x2000x16xf32, #tpu.memory_space<vmem>>, vector<1x2000x1xf32>
    %get3A_8 = vector.shape_cast %get3A_7 : vector<1x2000x1xf32> to vector<2000x1xf32>
    %add3A = arith.addf %get3A_3, %get3A_8 : vector<2000x1xf32>
    %sub3A = arith.constant 1.000000e+00 : f32
    %sub3A_9 = vector.broadcast %sub3A : f32 to vector<2000x1xf32>
    %sub3A_10 = arith.subf %add3A, %sub3A_9 : vector<2000x1xf32>
    %rsqrt3A = math.rsqrt %sub3A_10 : vector<2000x1xf32>
    %get3A_11 = arith.constant 0 : index
    %get3A_12 = arith.constant 0 : index
    %get3A_13 = vector.load %arg1[%get3A_11, %get3A_12] : memref<2000x256xf32, #tpu.memory_space<vmem>>, vector<2000x256xf32>
    %get3A_14 = arith.constant 0 : index
    %get3A_15 = arith.constant 0 : index
    %get3A_16 = vector.load %arg2[%get3A_14, %get3A_15] : memref<256x256xf32, #tpu.memory_space<vmem>>, vector<256x256xf32>
    %dot_general3A = arith.constant dense<0.000000e+00> : vector<2000x256xf32>
    %dot_general3A_17 = tpu.matmul %get3A_13, %get3A_16, %dot_general3A {dimension_numbers = #tpu.dot_dimension_numbers<[1], [0], [0], [1], [0, 0, 1, 1], [], []>, transpose_lhs_hint = false} : vector<2000x256xf32>, vector<256x256xf32>, vector<2000x256xf32> -> vector<2000x256xf32>
    %mul3A = vector.broadcast %rsqrt3A : vector<2000x1xf32> to vector<2000x256xf32>
    %mul3A_18 = arith.mulf %dot_general3A_17, %mul3A : vector<2000x256xf32>
    %slice3A = vector.extract_strided_slice %mul3A_18 {offsets = [0, 0], sizes = [2000, 128], strides = [1, 1]} : vector<2000x256xf32> to vector<2000x128xf32>
    %swap3A = arith.constant 0 : index
    %swap3A_19 = arith.constant 0 : index
    %swap3A_20 = arith.constant 0 : index
    %swap3A_21 = vector.load %arg4[%swap3A, %swap3A_19, %swap3A_20] : memref<2x2000x128xf32, #tpu.memory_space<vmem>>, vector<1x2000x128xf32>
    %swap3A_22 = vector.shape_cast %swap3A_21 : vector<1x2000x128xf32> to vector<2000x128xf32>
    %swap3A_23 = vector.shape_cast %slice3A : vector<2000x128xf32> to vector<1x2000x128xf32>
    tpu.vector_store %arg4[%swap3A, %swap3A_19, %swap3A_20], %swap3A_23 {strides = array<i32>} : memref<2x2000x128xf32, #tpu.memory_space<vmem>>, vector<1x2000x128xf32>,
    %slice3A_24 = vector.extract_strided_slice %mul3A_18 {offsets = [0, 128], sizes = [2000, 128], strides = [1, 1]} : vector<2000x256xf32> to vector<2000x128xf32>
    %swap3A_25 = arith.constant 1 : index
    %swap3A_26 = arith.constant 0 : index
    %swap3A_27 = arith.constant 0 : index
    %swap3A_28 = vector.load %arg4[%swap3A_25, %swap3A_26, %swap3A_27] : memref<2x2000x128xf32, #tpu.memory_space<vmem>>, vector<1x2000x128xf32>
    %swap3A_29 = vector.shape_cast %swap3A_28 : vector<1x2000x128xf32> to vector<2000x128xf32>
    %swap3A_30 = vector.shape_cast %slice3A_24 : vector<2000x128xf32> to vector<1x2000x128xf32>
    tpu.vector_store %arg4[%swap3A_25, %swap3A_26, %swap3A_27], %swap3A_30 {strides = array<i32>} : memref<2x2000x128xf32, #tpu.memory_space<vmem>>, vector<1x2000x128xf32>,
    return
  }
  func.func @transform_0(%arg0: i32) -> (i32, i32) {
    %c0_i32 = arith.constant 0 : i32
    %c0_i32_0 = arith.constant 0 : i32
    return %arg0, %c0_i32 : i32, i32
  }
  func.func @transform_1(%arg0: i32) -> (i32, i32) {
    %c0_i32 = arith.constant 0 : i32
    %c0_i32_0 = arith.constant 0 : i32
    %c0_i32_1 = arith.constant 0 : i32
    return %c0_i32, %c0_i32_0 : i32, i32
  }
  func.func @transform_2(%arg0: i32) -> (i32, i32, i32) {
    %c0_i32 = arith.constant 0 : i32
    %c0_i32_0 = arith.constant 0 : i32
    %c0_i32_1 = arith.constant 0 : i32
    return %c0_i32, %arg0, %c0_i32_0 : i32, i32, i32
  }
  func.func @transform_3(%arg0: i32) -> (i32, i32, i32) {
    %c0_i32 = arith.constant 0 : i32
    %c0_i32_0 = arith.constant 0 : i32
    %c0_i32_1 = arith.constant 0 : i32
    return %c0_i32, %arg0, %c0_i32_0 : i32, i32, i32
  }
}

module attributes {stable_mosaic.version = 14 : i64} {
  func.func @body(%arg0: i32, %arg1: memref<2x2000x128xf32, #tpu.memory_space<vmem>>, %arg2: memref<2x2000x128xf32, #tpu.memory_space<vmem>>, %arg3: memref<2x2000x16xf32, #tpu.memory_space<vmem>>, %arg4: memref<2x2000x128xf32, #tpu.memory_space<vmem>>, %arg5: memref<2x2x128xf32, #tpu.memory_space<vmem>>) attributes {dimension_semantics = [#tpu.dimension_semantics<arbitrary>], iteration_bounds = array<i64: 5>, scalar_prefetch = 0 : i64, scratch_operands = 0 : i64, tpu.core_type = #tpu.core_type<tc>, window_params = [{transform_indices = @transform_0, window_bounds = array<i64: 2, 2000, 128>}, {transform_indices = @transform_1, window_bounds = array<i64: 2, 2000, 128>}, {transform_indices = @transform_2, window_bounds = array<i64: 2, 2000, 16>}, {transform_indices = @transform_3, window_bounds = array<i64: 2, 2000, 128>}, {pipeline_mode = #tpu.pipeline_mode<synchronous>, transform_indices = @transform_4, window_bounds = array<i64: 2, 2, 128>}]} {
    %get3A = arith.constant 0 : index
    %get3A_0 = arith.constant 0 : index
    %get3A_1 = arith.constant 0 : index
    %get3A_2 = vector.load %arg3[%get3A, %get3A_0, %get3A_1] : memref<2x2000x16xf32, #tpu.memory_space<vmem>>, vector<1x2000x1xf32>
    %get3A_3 = vector.shape_cast %get3A_2 : vector<1x2000x1xf32> to vector<2000x1xf32>
    %get3A_4 = arith.constant 1 : index
    %get3A_5 = arith.constant 0 : index
    %get3A_6 = arith.constant 0 : index
    %get3A_7 = vector.load %arg3[%get3A_4, %get3A_5, %get3A_6] : memref<2x2000x16xf32, #tpu.memory_space<vmem>>, vector<1x2000x1xf32>
    %get3A_8 = vector.shape_cast %get3A_7 : vector<1x2000x1xf32> to vector<2000x1xf32>
    %add3A = arith.addf %get3A_3, %get3A_8 : vector<2000x1xf32>
    %sub3A = arith.constant 1.000000e+00 : f32
    %sub3A_9 = vector.broadcast %sub3A : f32 to vector<2000x1xf32>
    %sub3A_10 = arith.subf %add3A, %sub3A_9 : vector<2000x1xf32>
    %rsqrt3A = math.rsqrt %sub3A_10 : vector<2000x1xf32>
    %eq3A = arith.constant 0 : i32
    %eq3A_11 = arith.cmpi eq, %arg0, %eq3A : i32
    %convert_element_type3A = arith.extui %eq3A_11 : i1 to i32
    %cond3A = arith.constant 0 : i32
    %cond3A_12 = arith.cmpi ne, %convert_element_type3A, %cond3A : i32
    scf.if %cond3A_12 {
      %broadcast_in_dim3A_109 = arith.constant 0.000000e+00 : f32
      %broadcast_in_dim3A_110 = vector.broadcast %broadcast_in_dim3A_109 : f32 to vector<2x2x128xf32>
      %swap3A_111 = arith.constant 0 : index
      %swap3A_112 = arith.constant 0 : index
      %swap3A_113 = arith.constant 0 : index
      %swap3A_114 = vector.load %arg5[%swap3A_111, %swap3A_112, %swap3A_113] : memref<2x2x128xf32, #tpu.memory_space<vmem>>, vector<2x2x128xf32>
      tpu.vector_store %arg5[%swap3A_111, %swap3A_112, %swap3A_113], %broadcast_in_dim3A_110 {strides = array<i32>} : memref<2x2x128xf32, #tpu.memory_space<vmem>>, vector<2x2x128xf32>,
    } else {
    }
    %get3A_13 = arith.constant 0 : index
    %get3A_14 = arith.constant 0 : index
    %get3A_15 = arith.constant 0 : index
    %get3A_16 = vector.load %arg1[%get3A_13, %get3A_14, %get3A_15] : memref<2x2000x128xf32, #tpu.memory_space<vmem>>, vector<1x2000x128xf32>
    %get3A_17 = vector.shape_cast %get3A_16 : vector<1x2000x128xf32> to vector<2000x128xf32>
    %get3A_18 = arith.constant 0 : index
    %get3A_19 = arith.constant 0 : index
    %get3A_20 = arith.constant 0 : index
    %get3A_21 = vector.load %arg2[%get3A_18, %get3A_19, %get3A_20] : memref<2x2000x128xf32, #tpu.memory_space<vmem>>, vector<1x2000x128xf32>
    %get3A_22 = vector.shape_cast %get3A_21 : vector<1x2000x128xf32> to vector<2000x128xf32>
    %add3A_23 = arith.addf %get3A_17, %get3A_22 : vector<2000x128xf32>
    %mul3A = vector.broadcast %rsqrt3A : vector<2000x1xf32> to vector<2000x128xf32>
    %mul3A_24 = arith.mulf %add3A_23, %mul3A : vector<2000x128xf32>
    %swap3A = arith.constant 0 : index
    %swap3A_25 = arith.constant 0 : index
    %swap3A_26 = arith.constant 0 : index
    %swap3A_27 = vector.load %arg4[%swap3A, %swap3A_25, %swap3A_26] : memref<2x2000x128xf32, #tpu.memory_space<vmem>>, vector<1x2000x128xf32>
    %swap3A_28 = vector.shape_cast %swap3A_27 : vector<1x2000x128xf32> to vector<2000x128xf32>
    %swap3A_29 = vector.shape_cast %mul3A_24 : vector<2000x128xf32> to vector<1x2000x128xf32>
    tpu.vector_store %arg4[%swap3A, %swap3A_25, %swap3A_26], %swap3A_29 {strides = array<i32>} : memref<2x2000x128xf32, #tpu.memory_space<vmem>>, vector<1x2000x128xf32>,
    %get3A_30 = arith.constant 0 : index
    %get3A_31 = arith.constant 0 : index
    %get3A_32 = arith.constant 0 : index
    %get3A_33 = vector.load %arg5[%get3A_30, %get3A_31, %get3A_32] : memref<2x2x128xf32, #tpu.memory_space<vmem>>, vector<1x1x128xf32>
    %get3A_34 = vector.shape_cast %get3A_33 : vector<1x1x128xf32> to vector<1x128xf32>
    %reduce_sum3A = arith.constant dense<0.000000e+00> : vector<128xf32>
    %reduce_sum3A_35 = vector.multi_reduction <add>, %mul3A_24, %reduce_sum3A [0] : vector<2000x128xf32> to vector<128xf32>
    %broadcast_in_dim3A = vector.shape_cast %reduce_sum3A_35 : vector<128xf32> to vector<1x128xf32>
    %add3A_36 = arith.addf %get3A_34, %broadcast_in_dim3A : vector<1x128xf32>
    %swap3A_37 = arith.constant 0 : index
    %swap3A_38 = arith.constant 0 : index
    %swap3A_39 = arith.constant 0 : index
    %swap3A_40 = vector.load %arg5[%swap3A_37, %swap3A_38, %swap3A_39] : memref<2x2x128xf32, #tpu.memory_space<vmem>>, vector<1x1x128xf32>
    %swap3A_41 = vector.shape_cast %swap3A_40 : vector<1x1x128xf32> to vector<1x128xf32>
    %swap3A_42 = vector.shape_cast %add3A_36 : vector<1x128xf32> to vector<1x1x128xf32>
    tpu.vector_store %arg5[%swap3A_37, %swap3A_38, %swap3A_39], %swap3A_42 {strides = array<i32>} : memref<2x2x128xf32, #tpu.memory_space<vmem>>, vector<1x1x128xf32>,
    %get3A_43 = arith.constant 0 : index
    %get3A_44 = arith.constant 1 : index
    %get3A_45 = arith.constant 0 : index
    %get3A_46 = vector.load %arg5[%get3A_43, %get3A_44, %get3A_45] : memref<2x2x128xf32, #tpu.memory_space<vmem>>, vector<1x1x128xf32>
    %get3A_47 = vector.shape_cast %get3A_46 : vector<1x1x128xf32> to vector<1x128xf32>
    %mul3A_48 = arith.mulf %mul3A_24, %mul3A_24 : vector<2000x128xf32>
    %reduce_sum3A_49 = arith.constant dense<0.000000e+00> : vector<128xf32>
    %reduce_sum3A_50 = vector.multi_reduction <add>, %mul3A_48, %reduce_sum3A_49 [0] : vector<2000x128xf32> to vector<128xf32>
    %broadcast_in_dim3A_51 = vector.shape_cast %reduce_sum3A_50 : vector<128xf32> to vector<1x128xf32>
    %add3A_52 = arith.addf %get3A_47, %broadcast_in_dim3A_51 : vector<1x128xf32>
    %swap3A_53 = arith.constant 0 : index
    %swap3A_54 = arith.constant 1 : index
    %swap3A_55 = arith.constant 0 : index
    %swap3A_56 = vector.load %arg5[%swap3A_53, %swap3A_54, %swap3A_55] : memref<2x2x128xf32, #tpu.memory_space<vmem>>, vector<1x1x128xf32>
    %swap3A_57 = vector.shape_cast %swap3A_56 : vector<1x1x128xf32> to vector<1x128xf32>
    %swap3A_58 = vector.shape_cast %add3A_52 : vector<1x128xf32> to vector<1x1x128xf32>
    tpu.vector_store %arg5[%swap3A_53, %swap3A_54, %swap3A_55], %swap3A_58 {strides = array<i32>} : memref<2x2x128xf32, #tpu.memory_space<vmem>>, vector<1x1x128xf32>,
    %get3A_59 = arith.constant 1 : index
    %get3A_60 = arith.constant 0 : index
    %get3A_61 = arith.constant 0 : index
    %get3A_62 = vector.load %arg1[%get3A_59, %get3A_60, %get3A_61] : memref<2x2000x128xf32, #tpu.memory_space<vmem>>, vector<1x2000x128xf32>
    %get3A_63 = vector.shape_cast %get3A_62 : vector<1x2000x128xf32> to vector<2000x128xf32>
    %get3A_64 = arith.constant 1 : index
    %get3A_65 = arith.constant 0 : index
    %get3A_66 = arith.constant 0 : index
    %get3A_67 = vector.load %arg2[%get3A_64, %get3A_65, %get3A_66] : memref<2x2000x128xf32, #tpu.memory_space<vmem>>, vector<1x2000x128xf32>
    %get3A_68 = vector.shape_cast %get3A_67 : vector<1x2000x128xf32> to vector<2000x128xf32>
    %add3A_69 = arith.addf %get3A_63, %get3A_68 : vector<2000x128xf32>
    %mul3A_70 = vector.broadcast %rsqrt3A : vector<2000x1xf32> to vector<2000x128xf32>
    %mul3A_71 = arith.mulf %add3A_69, %mul3A_70 : vector<2000x128xf32>
    %swap3A_72 = arith.constant 1 : index
    %swap3A_73 = arith.constant 0 : index
    %swap3A_74 = arith.constant 0 : index
    %swap3A_75 = vector.load %arg4[%swap3A_72, %swap3A_73, %swap3A_74] : memref<2x2000x128xf32, #tpu.memory_space<vmem>>, vector<1x2000x128xf32>
    %swap3A_76 = vector.shape_cast %swap3A_75 : vector<1x2000x128xf32> to vector<2000x128xf32>
    %swap3A_77 = vector.shape_cast %mul3A_71 : vector<2000x128xf32> to vector<1x2000x128xf32>
    tpu.vector_store %arg4[%swap3A_72, %swap3A_73, %swap3A_74], %swap3A_77 {strides = array<i32>} : memref<2x2000x128xf32, #tpu.memory_space<vmem>>, vector<1x2000x128xf32>,
    %get3A_78 = arith.constant 1 : index
    %get3A_79 = arith.constant 0 : index
    %get3A_80 = arith.constant 0 : index
    %get3A_81 = vector.load %arg5[%get3A_78, %get3A_79, %get3A_80] : memref<2x2x128xf32, #tpu.memory_space<vmem>>, vector<1x1x128xf32>
    %get3A_82 = vector.shape_cast %get3A_81 : vector<1x1x128xf32> to vector<1x128xf32>
    %reduce_sum3A_83 = arith.constant dense<0.000000e+00> : vector<128xf32>
    %reduce_sum3A_84 = vector.multi_reduction <add>, %mul3A_71, %reduce_sum3A_83 [0] : vector<2000x128xf32> to vector<128xf32>
    %broadcast_in_dim3A_85 = vector.shape_cast %reduce_sum3A_84 : vector<128xf32> to vector<1x128xf32>
    %add3A_86 = arith.addf %get3A_82, %broadcast_in_dim3A_85 : vector<1x128xf32>
    %swap3A_87 = arith.constant 1 : index
    %swap3A_88 = arith.constant 0 : index
    %swap3A_89 = arith.constant 0 : index
    %swap3A_90 = vector.load %arg5[%swap3A_87, %swap3A_88, %swap3A_89] : memref<2x2x128xf32, #tpu.memory_space<vmem>>, vector<1x1x128xf32>
    %swap3A_91 = vector.shape_cast %swap3A_90 : vector<1x1x128xf32> to vector<1x128xf32>
    %swap3A_92 = vector.shape_cast %add3A_86 : vector<1x128xf32> to vector<1x1x128xf32>
    tpu.vector_store %arg5[%swap3A_87, %swap3A_88, %swap3A_89], %swap3A_92 {strides = array<i32>} : memref<2x2x128xf32, #tpu.memory_space<vmem>>, vector<1x1x128xf32>,
    %get3A_93 = arith.constant 1 : index
    %get3A_94 = arith.constant 1 : index
    %get3A_95 = arith.constant 0 : index
    %get3A_96 = vector.load %arg5[%get3A_93, %get3A_94, %get3A_95] : memref<2x2x128xf32, #tpu.memory_space<vmem>>, vector<1x1x128xf32>
    %get3A_97 = vector.shape_cast %get3A_96 : vector<1x1x128xf32> to vector<1x128xf32>
    %mul3A_98 = arith.mulf %mul3A_71, %mul3A_71 : vector<2000x128xf32>
    %reduce_sum3A_99 = arith.constant dense<0.000000e+00> : vector<128xf32>
    %reduce_sum3A_100 = vector.multi_reduction <add>, %mul3A_98, %reduce_sum3A_99 [0] : vector<2000x128xf32> to vector<128xf32>
    %broadcast_in_dim3A_101 = vector.shape_cast %reduce_sum3A_100 : vector<128xf32> to vector<1x128xf32>
    %add3A_102 = arith.addf %get3A_97, %broadcast_in_dim3A_101 : vector<1x128xf32>
    %swap3A_103 = arith.constant 1 : index
    %swap3A_104 = arith.constant 1 : index
    %swap3A_105 = arith.constant 0 : index
    %swap3A_106 = vector.load %arg5[%swap3A_103, %swap3A_104, %swap3A_105] : memref<2x2x128xf32, #tpu.memory_space<vmem>>, vector<1x1x128xf32>
    %swap3A_107 = vector.shape_cast %swap3A_106 : vector<1x1x128xf32> to vector<1x128xf32>
    %swap3A_108 = vector.shape_cast %add3A_102 : vector<1x128xf32> to vector<1x1x128xf32>
    tpu.vector_store %arg5[%swap3A_103, %swap3A_104, %swap3A_105], %swap3A_108 {strides = array<i32>} : memref<2x2x128xf32, #tpu.memory_space<vmem>>, vector<1x1x128xf32>,
    return
  }
  func.func @transform_0(%arg0: i32) -> (i32, i32, i32) {
    %c0_i32 = arith.constant 0 : i32
    %c0_i32_0 = arith.constant 0 : i32
    %c0_i32_1 = arith.constant 0 : i32
    return %c0_i32, %arg0, %c0_i32_0 : i32, i32, i32
  }
  func.func @transform_1(%arg0: i32) -> (i32, i32, i32) {
    %c0_i32 = arith.constant 0 : i32
    %c0_i32_0 = arith.constant 0 : i32
    %c0_i32_1 = arith.constant 0 : i32
    return %c0_i32, %arg0, %c0_i32_0 : i32, i32, i32
  }
  func.func @transform_2(%arg0: i32) -> (i32, i32, i32) {
    %c0_i32 = arith.constant 0 : i32
    %c0_i32_0 = arith.constant 0 : i32
    %c0_i32_1 = arith.constant 0 : i32
    return %c0_i32, %arg0, %c0_i32_0 : i32, i32, i32
  }
  func.func @transform_3(%arg0: i32) -> (i32, i32, i32) {
    %c0_i32 = arith.constant 0 : i32
    %c0_i32_0 = arith.constant 0 : i32
    %c0_i32_1 = arith.constant 0 : i32
    return %c0_i32, %arg0, %c0_i32_0 : i32, i32, i32
  }
  func.func @transform_4(%arg0: i32) -> (i32, i32, i32) {
    %c0_i32 = arith.constant 0 : i32
    %c0_i32_0 = arith.constant 0 : i32
    %c0_i32_1 = arith.constant 0 : i32
    %c0_i32_2 = arith.constant 0 : i32
    return %c0_i32, %c0_i32_0, %c0_i32_1 : i32, i32, i32
  }
}

module attributes {stable_mosaic.version = 14 : i64} {
  func.func @body(%arg0: i32, %arg1: memref<2x2000x128xf32, #tpu.memory_space<vmem>>, %arg2: memref<2x2x128xf32, #tpu.memory_space<vmem>>, %arg3: memref<2x128xf32, #tpu.memory_space<vmem>>, %arg4: memref<2x128xf32, #tpu.memory_space<vmem>>, %arg5: memref<256x256xf32, #tpu.memory_space<vmem>>, %arg6: memref<2x2000x16xf32, #tpu.memory_space<vmem>>, %arg7: memref<2x2000x128xf32, #tpu.memory_space<vmem>>) attributes {dimension_semantics = [#tpu.dimension_semantics<arbitrary>], iteration_bounds = array<i64: 5>, scalar_prefetch = 0 : i64, scratch_operands = 0 : i64, tpu.core_type = #tpu.core_type<tc>, window_params = [{transform_indices = @transform_0, window_bounds = array<i64: 2, 2000, 128>}, {pipeline_mode = #tpu.pipeline_mode<synchronous>, transform_indices = @transform_1, window_bounds = array<i64: 2, 2, 128>}, {pipeline_mode = #tpu.pipeline_mode<synchronous>, transform_indices = @transform_2, window_bounds = array<i64: 2, 128>}, {pipeline_mode = #tpu.pipeline_mode<synchronous>, transform_indices = @transform_3, window_bounds = array<i64: 2, 128>}, {pipeline_mode = #tpu.pipeline_mode<synchronous>, transform_indices = @transform_4, window_bounds = array<i64: 256, 256>}, {transform_indices = @transform_5, window_bounds = array<i64: 2, 2000, 16>}, {transform_indices = @transform_6, window_bounds = array<i64: 2, 2000, 128>}]} {
    %get3A = arith.constant 0 : index
    %get3A_0 = arith.constant 0 : index
    %get3A_1 = arith.constant 0 : index
    %get3A_2 = vector.load %arg2[%get3A, %get3A_0, %get3A_1] : memref<2x2x128xf32, #tpu.memory_space<vmem>>, vector<1x1x128xf32>
    %get3A_3 = vector.shape_cast %get3A_2 : vector<1x1x128xf32> to vector<1x128xf32>
    %mul3A = arith.constant 9.99999974E-5 : f32
    %mul3A_4 = vector.broadcast %mul3A : f32 to vector<1x128xf32>
    %mul3A_5 = arith.mulf %get3A_3, %mul3A_4 : vector<1x128xf32>
    %get3A_6 = arith.constant 0 : index
    %get3A_7 = arith.constant 1 : index
    %get3A_8 = arith.constant 0 : index
    %get3A_9 = vector.load %arg2[%get3A_6, %get3A_7, %get3A_8] : memref<2x2x128xf32, #tpu.memory_space<vmem>>, vector<1x1x128xf32>
    %get3A_10 = vector.shape_cast %get3A_9 : vector<1x1x128xf32> to vector<1x128xf32>
    %mul3A_11 = arith.constant 9.99999974E-5 : f32
    %mul3A_12 = vector.broadcast %mul3A_11 : f32 to vector<1x128xf32>
    %mul3A_13 = arith.mulf %get3A_10, %mul3A_12 : vector<1x128xf32>
    %mul3A_14 = arith.mulf %mul3A_5, %mul3A_5 : vector<1x128xf32>
    %sub3A = arith.subf %mul3A_13, %mul3A_14 : vector<1x128xf32>
    %add3A = arith.constant 9.99999974E-6 : f32
    %add3A_15 = vector.broadcast %add3A : f32 to vector<1x128xf32>
    %add3A_16 = arith.addf %sub3A, %add3A_15 : vector<1x128xf32>
    %rsqrt3A = math.rsqrt %add3A_16 : vector<1x128xf32>
    %get3A_17 = arith.constant 0 : index
    %get3A_18 = arith.constant 0 : index
    %get3A_19 = arith.constant 0 : index
    %get3A_20 = vector.load %arg1[%get3A_17, %get3A_18, %get3A_19] : memref<2x2000x128xf32, #tpu.memory_space<vmem>>, vector<1x2000x128xf32>
    %get3A_21 = vector.shape_cast %get3A_20 : vector<1x2000x128xf32> to vector<2000x128xf32>
    %sub3A_22 = vector.broadcast %mul3A_5 : vector<1x128xf32> to vector<2000x128xf32>
    %sub3A_23 = arith.subf %get3A_21, %sub3A_22 : vector<2000x128xf32>
    %get3A_24 = arith.constant 0 : index
    %get3A_25 = arith.constant 0 : index
    %get3A_26 = vector.load %arg3[%get3A_24, %get3A_25] : memref<2x128xf32, #tpu.memory_space<vmem>>, vector<1x128xf32>
    %mul3A_27 = arith.mulf %rsqrt3A, %get3A_26 : vector<1x128xf32>
    %mul3A_28 = vector.broadcast %mul3A_27 : vector<1x128xf32> to vector<2000x128xf32>
    %mul3A_29 = arith.mulf %sub3A_23, %mul3A_28 : vector<2000x128xf32>
    %get3A_30 = arith.constant 0 : index
    %get3A_31 = arith.constant 0 : index
    %get3A_32 = vector.load %arg4[%get3A_30, %get3A_31] : memref<2x128xf32, #tpu.memory_space<vmem>>, vector<1x128xf32>
    %add3A_33 = vector.broadcast %get3A_32 : vector<1x128xf32> to vector<2000x128xf32>
    %add3A_34 = arith.addf %mul3A_29, %add3A_33 : vector<2000x128xf32>
    %max3A = arith.constant 0.000000e+00 : f32
    %max3A_35 = vector.broadcast %max3A : f32 to vector<2000x128xf32>
    %max3A_36 = arith.maximumf %add3A_34, %max3A_35 : vector<2000x128xf32>
    %get3A_37 = arith.constant 1 : index
    %get3A_38 = arith.constant 0 : index
    %get3A_39 = arith.constant 0 : index
    %get3A_40 = vector.load %arg2[%get3A_37, %get3A_38, %get3A_39] : memref<2x2x128xf32, #tpu.memory_space<vmem>>, vector<1x1x128xf32>
    %get3A_41 = vector.shape_cast %get3A_40 : vector<1x1x128xf32> to vector<1x128xf32>
    %mul3A_42 = arith.constant 9.99999974E-5 : f32
    %mul3A_43 = vector.broadcast %mul3A_42 : f32 to vector<1x128xf32>
    %mul3A_44 = arith.mulf %get3A_41, %mul3A_43 : vector<1x128xf32>
    %get3A_45 = arith.constant 1 : index
    %get3A_46 = arith.constant 1 : index
    %get3A_47 = arith.constant 0 : index
    %get3A_48 = vector.load %arg2[%get3A_45, %get3A_46, %get3A_47] : memref<2x2x128xf32, #tpu.memory_space<vmem>>, vector<1x1x128xf32>
    %get3A_49 = vector.shape_cast %get3A_48 : vector<1x1x128xf32> to vector<1x128xf32>
    %mul3A_50 = arith.constant 9.99999974E-5 : f32
    %mul3A_51 = vector.broadcast %mul3A_50 : f32 to vector<1x128xf32>
    %mul3A_52 = arith.mulf %get3A_49, %mul3A_51 : vector<1x128xf32>
    %mul3A_53 = arith.mulf %mul3A_44, %mul3A_44 : vector<1x128xf32>
    %sub3A_54 = arith.subf %mul3A_52, %mul3A_53 : vector<1x128xf32>
    %add3A_55 = arith.constant 9.99999974E-6 : f32
    %add3A_56 = vector.broadcast %add3A_55 : f32 to vector<1x128xf32>
    %add3A_57 = arith.addf %sub3A_54, %add3A_56 : vector<1x128xf32>
    %rsqrt3A_58 = math.rsqrt %add3A_57 : vector<1x128xf32>
    %get3A_59 = arith.constant 1 : index
    %get3A_60 = arith.constant 0 : index
    %get3A_61 = arith.constant 0 : index
    %get3A_62 = vector.load %arg1[%get3A_59, %get3A_60, %get3A_61] : memref<2x2000x128xf32, #tpu.memory_space<vmem>>, vector<1x2000x128xf32>
    %get3A_63 = vector.shape_cast %get3A_62 : vector<1x2000x128xf32> to vector<2000x128xf32>
    %sub3A_64 = vector.broadcast %mul3A_44 : vector<1x128xf32> to vector<2000x128xf32>
    %sub3A_65 = arith.subf %get3A_63, %sub3A_64 : vector<2000x128xf32>
    %get3A_66 = arith.constant 1 : index
    %get3A_67 = arith.constant 0 : index
    %get3A_68 = vector.load %arg3[%get3A_66, %get3A_67] : memref<2x128xf32, #tpu.memory_space<vmem>>, vector<1x128xf32>
    %mul3A_69 = arith.mulf %rsqrt3A_58, %get3A_68 : vector<1x128xf32>
    %mul3A_70 = vector.broadcast %mul3A_69 : vector<1x128xf32> to vector<2000x128xf32>
    %mul3A_71 = arith.mulf %sub3A_65, %mul3A_70 : vector<2000x128xf32>
    %get3A_72 = arith.constant 1 : index
    %get3A_73 = arith.constant 0 : index
    %get3A_74 = vector.load %arg4[%get3A_72, %get3A_73] : memref<2x128xf32, #tpu.memory_space<vmem>>, vector<1x128xf32>
    %add3A_75 = vector.broadcast %get3A_74 : vector<1x128xf32> to vector<2000x128xf32>
    %add3A_76 = arith.addf %mul3A_71, %add3A_75 : vector<2000x128xf32>
    %max3A_77 = arith.constant 0.000000e+00 : f32
    %max3A_78 = vector.broadcast %max3A_77 : f32 to vector<2000x128xf32>
    %max3A_79 = arith.maximumf %add3A_76, %max3A_78 : vector<2000x128xf32>
    %concatenate3A = tpu.concatenate %max3A_36, %max3A_79 in 1 : vector<2000x128xf32>, vector<2000x128xf32> -> vector<2000x256xf32>
    %get3A_80 = arith.constant 0 : index
    %get3A_81 = arith.constant 0 : index
    %get3A_82 = arith.constant 0 : index
    %get3A_83 = vector.load %arg6[%get3A_80, %get3A_81, %get3A_82] : memref<2x2000x16xf32, #tpu.memory_space<vmem>>, vector<1x2000x1xf32>
    %get3A_84 = vector.shape_cast %get3A_83 : vector<1x2000x1xf32> to vector<2000x1xf32>
    %get3A_85 = arith.constant 1 : index
    %get3A_86 = arith.constant 0 : index
    %get3A_87 = arith.constant 0 : index
    %get3A_88 = vector.load %arg6[%get3A_85, %get3A_86, %get3A_87] : memref<2x2000x16xf32, #tpu.memory_space<vmem>>, vector<1x2000x1xf32>
    %get3A_89 = vector.shape_cast %get3A_88 : vector<1x2000x1xf32> to vector<2000x1xf32>
    %add3A_90 = arith.addf %get3A_84, %get3A_89 : vector<2000x1xf32>
    %sub3A_91 = arith.constant 1.000000e+00 : f32
    %sub3A_92 = vector.broadcast %sub3A_91 : f32 to vector<2000x1xf32>
    %sub3A_93 = arith.subf %add3A_90, %sub3A_92 : vector<2000x1xf32>
    %rsqrt3A_94 = math.rsqrt %sub3A_93 : vector<2000x1xf32>
    %get3A_95 = arith.constant 0 : index
    %get3A_96 = arith.constant 0 : index
    %get3A_97 = vector.load %arg5[%get3A_95, %get3A_96] : memref<256x256xf32, #tpu.memory_space<vmem>>, vector<256x256xf32>
    %dot_general3A = arith.constant dense<0.000000e+00> : vector<2000x256xf32>
    %dot_general3A_98 = tpu.matmul %concatenate3A, %get3A_97, %dot_general3A {dimension_numbers = #tpu.dot_dimension_numbers<[1], [0], [0], [1], [0, 0, 1, 1], [], []>, transpose_lhs_hint = false} : vector<2000x256xf32>, vector<256x256xf32>, vector<2000x256xf32> -> vector<2000x256xf32>
    %mul3A_99 = vector.broadcast %rsqrt3A_94 : vector<2000x1xf32> to vector<2000x256xf32>
    %mul3A_100 = arith.mulf %dot_general3A_98, %mul3A_99 : vector<2000x256xf32>
    %slice3A = vector.extract_strided_slice %mul3A_100 {offsets = [0, 0], sizes = [2000, 128], strides = [1, 1]} : vector<2000x256xf32> to vector<2000x128xf32>
    %swap3A = arith.constant 0 : index
    %swap3A_101 = arith.constant 0 : index
    %swap3A_102 = arith.constant 0 : index
    %swap3A_103 = vector.load %arg7[%swap3A, %swap3A_101, %swap3A_102] : memref<2x2000x128xf32, #tpu.memory_space<vmem>>, vector<1x2000x128xf32>
    %swap3A_104 = vector.shape_cast %swap3A_103 : vector<1x2000x128xf32> to vector<2000x128xf32>
    %swap3A_105 = vector.shape_cast %slice3A : vector<2000x128xf32> to vector<1x2000x128xf32>
    tpu.vector_store %arg7[%swap3A, %swap3A_101, %swap3A_102], %swap3A_105 {strides = array<i32>} : memref<2x2000x128xf32, #tpu.memory_space<vmem>>, vector<1x2000x128xf32>,
    %slice3A_106 = vector.extract_strided_slice %mul3A_100 {offsets = [0, 128], sizes = [2000, 128], strides = [1, 1]} : vector<2000x256xf32> to vector<2000x128xf32>
    %swap3A_107 = arith.constant 1 : index
    %swap3A_108 = arith.constant 0 : index
    %swap3A_109 = arith.constant 0 : index
    %swap3A_110 = vector.load %arg7[%swap3A_107, %swap3A_108, %swap3A_109] : memref<2x2000x128xf32, #tpu.memory_space<vmem>>, vector<1x2000x128xf32>
    %swap3A_111 = vector.shape_cast %swap3A_110 : vector<1x2000x128xf32> to vector<2000x128xf32>
    %swap3A_112 = vector.shape_cast %slice3A_106 : vector<2000x128xf32> to vector<1x2000x128xf32>
    tpu.vector_store %arg7[%swap3A_107, %swap3A_108, %swap3A_109], %swap3A_112 {strides = array<i32>} : memref<2x2000x128xf32, #tpu.memory_space<vmem>>, vector<1x2000x128xf32>,
    return
  }
  func.func @transform_0(%arg0: i32) -> (i32, i32, i32) {
    %c0_i32 = arith.constant 0 : i32
    %c0_i32_0 = arith.constant 0 : i32
    %c0_i32_1 = arith.constant 0 : i32
    return %c0_i32, %arg0, %c0_i32_0 : i32, i32, i32
  }
  func.func @transform_1(%arg0: i32) -> (i32, i32, i32) {
    %c0_i32 = arith.constant 0 : i32
    %c0_i32_0 = arith.constant 0 : i32
    %c0_i32_1 = arith.constant 0 : i32
    %c0_i32_2 = arith.constant 0 : i32
    return %c0_i32, %c0_i32_0, %c0_i32_1 : i32, i32, i32
  }
  func.func @transform_2(%arg0: i32) -> (i32, i32) {
    %c0_i32 = arith.constant 0 : i32
    %c0_i32_0 = arith.constant 0 : i32
    %c0_i32_1 = arith.constant 0 : i32
    return %c0_i32, %c0_i32_0 : i32, i32
  }
  func.func @transform_3(%arg0: i32) -> (i32, i32) {
    %c0_i32 = arith.constant 0 : i32
    %c0_i32_0 = arith.constant 0 : i32
    %c0_i32_1 = arith.constant 0 : i32
    return %c0_i32, %c0_i32_0 : i32, i32
  }
  func.func @transform_4(%arg0: i32) -> (i32, i32) {
    %c0_i32 = arith.constant 0 : i32
    %c0_i32_0 = arith.constant 0 : i32
    %c0_i32_1 = arith.constant 0 : i32
    return %c0_i32, %c0_i32_0 : i32, i32
  }
  func.func @transform_5(%arg0: i32) -> (i32, i32, i32) {
    %c0_i32 = arith.constant 0 : i32
    %c0_i32_0 = arith.constant 0 : i32
    %c0_i32_1 = arith.constant 0 : i32
    return %c0_i32, %arg0, %c0_i32_0 : i32, i32, i32
  }
  func.func @transform_6(%arg0: i32) -> (i32, i32, i32) {
    %c0_i32 = arith.constant 0 : i32
    %c0_i32_0 = arith.constant 0 : i32
    %c0_i32_1 = arith.constant 0 : i32
    return %c0_i32, %arg0, %c0_i32_0 : i32, i32, i32
  }
}

module attributes {stable_mosaic.version = 14 : i64} {
  func.func @body(%arg0: i32, %arg1: memref<2x2000x128xf32, #tpu.memory_space<vmem>>, %arg2: memref<2x2x128xf32, #tpu.memory_space<vmem>>, %arg3: memref<2x128xf32, #tpu.memory_space<vmem>>, %arg4: memref<2x128xf32, #tpu.memory_space<vmem>>, %arg5: memref<2000x256xf32, #tpu.memory_space<vmem>>, %arg6: memref<2000x256xf32, #tpu.memory_space<vmem>>) attributes {dimension_semantics = [#tpu.dimension_semantics<arbitrary>], iteration_bounds = array<i64: 5>, scalar_prefetch = 0 : i64, scratch_operands = 0 : i64, tpu.core_type = #tpu.core_type<tc>, window_params = [{transform_indices = @transform_0, window_bounds = array<i64: 2, 2000, 128>}, {pipeline_mode = #tpu.pipeline_mode<synchronous>, transform_indices = @transform_1, window_bounds = array<i64: 2, 2, 128>}, {pipeline_mode = #tpu.pipeline_mode<synchronous>, transform_indices = @transform_2, window_bounds = array<i64: 2, 128>}, {pipeline_mode = #tpu.pipeline_mode<synchronous>, transform_indices = @transform_3, window_bounds = array<i64: 2, 128>}, {transform_indices = @transform_4, window_bounds = array<i64: 2000, 256>}, {transform_indices = @transform_5, window_bounds = array<i64: 2000, 256>}]} {
    %get3A = arith.constant 0 : index
    %get3A_0 = arith.constant 0 : index
    %get3A_1 = arith.constant 0 : index
    %get3A_2 = vector.load %arg2[%get3A, %get3A_0, %get3A_1] : memref<2x2x128xf32, #tpu.memory_space<vmem>>, vector<1x1x128xf32>
    %get3A_3 = vector.shape_cast %get3A_2 : vector<1x1x128xf32> to vector<1x128xf32>
    %mul3A = arith.constant 9.99999974E-5 : f32
    %mul3A_4 = vector.broadcast %mul3A : f32 to vector<1x128xf32>
    %mul3A_5 = arith.mulf %get3A_3, %mul3A_4 : vector<1x128xf32>
    %get3A_6 = arith.constant 0 : index
    %get3A_7 = arith.constant 1 : index
    %get3A_8 = arith.constant 0 : index
    %get3A_9 = vector.load %arg2[%get3A_6, %get3A_7, %get3A_8] : memref<2x2x128xf32, #tpu.memory_space<vmem>>, vector<1x1x128xf32>
    %get3A_10 = vector.shape_cast %get3A_9 : vector<1x1x128xf32> to vector<1x128xf32>
    %mul3A_11 = arith.constant 9.99999974E-5 : f32
    %mul3A_12 = vector.broadcast %mul3A_11 : f32 to vector<1x128xf32>
    %mul3A_13 = arith.mulf %get3A_10, %mul3A_12 : vector<1x128xf32>
    %mul3A_14 = arith.mulf %mul3A_5, %mul3A_5 : vector<1x128xf32>
    %sub3A = arith.subf %mul3A_13, %mul3A_14 : vector<1x128xf32>
    %add3A = arith.constant 9.99999974E-6 : f32
    %add3A_15 = vector.broadcast %add3A : f32 to vector<1x128xf32>
    %add3A_16 = arith.addf %sub3A, %add3A_15 : vector<1x128xf32>
    %rsqrt3A = math.rsqrt %add3A_16 : vector<1x128xf32>
    %get3A_17 = arith.constant 0 : index
    %get3A_18 = arith.constant 0 : index
    %get3A_19 = arith.constant 0 : index
    %get3A_20 = vector.load %arg1[%get3A_17, %get3A_18, %get3A_19] : memref<2x2000x128xf32, #tpu.memory_space<vmem>>, vector<1x2000x128xf32>
    %get3A_21 = vector.shape_cast %get3A_20 : vector<1x2000x128xf32> to vector<2000x128xf32>
    %sub3A_22 = vector.broadcast %mul3A_5 : vector<1x128xf32> to vector<2000x128xf32>
    %sub3A_23 = arith.subf %get3A_21, %sub3A_22 : vector<2000x128xf32>
    %get3A_24 = arith.constant 0 : index
    %get3A_25 = arith.constant 0 : index
    %get3A_26 = vector.load %arg3[%get3A_24, %get3A_25] : memref<2x128xf32, #tpu.memory_space<vmem>>, vector<1x128xf32>
    %mul3A_27 = arith.mulf %rsqrt3A, %get3A_26 : vector<1x128xf32>
    %mul3A_28 = vector.broadcast %mul3A_27 : vector<1x128xf32> to vector<2000x128xf32>
    %mul3A_29 = arith.mulf %sub3A_23, %mul3A_28 : vector<2000x128xf32>
    %get3A_30 = arith.constant 0 : index
    %get3A_31 = arith.constant 0 : index
    %get3A_32 = vector.load %arg4[%get3A_30, %get3A_31] : memref<2x128xf32, #tpu.memory_space<vmem>>, vector<1x128xf32>
    %add3A_33 = vector.broadcast %get3A_32 : vector<1x128xf32> to vector<2000x128xf32>
    %add3A_34 = arith.addf %mul3A_29, %add3A_33 : vector<2000x128xf32>
    %get3A_35 = arith.constant 1 : index
    %get3A_36 = arith.constant 0 : index
    %get3A_37 = arith.constant 0 : index
    %get3A_38 = vector.load %arg2[%get3A_35, %get3A_36, %get3A_37] : memref<2x2x128xf32, #tpu.memory_space<vmem>>, vector<1x1x128xf32>
    %get3A_39 = vector.shape_cast %get3A_38 : vector<1x1x128xf32> to vector<1x128xf32>
    %mul3A_40 = arith.constant 9.99999974E-5 : f32
    %mul3A_41 = vector.broadcast %mul3A_40 : f32 to vector<1x128xf32>
    %mul3A_42 = arith.mulf %get3A_39, %mul3A_41 : vector<1x128xf32>
    %get3A_43 = arith.constant 1 : index
    %get3A_44 = arith.constant 1 : index
    %get3A_45 = arith.constant 0 : index
    %get3A_46 = vector.load %arg2[%get3A_43, %get3A_44, %get3A_45] : memref<2x2x128xf32, #tpu.memory_space<vmem>>, vector<1x1x128xf32>
    %get3A_47 = vector.shape_cast %get3A_46 : vector<1x1x128xf32> to vector<1x128xf32>
    %mul3A_48 = arith.constant 9.99999974E-5 : f32
    %mul3A_49 = vector.broadcast %mul3A_48 : f32 to vector<1x128xf32>
    %mul3A_50 = arith.mulf %get3A_47, %mul3A_49 : vector<1x128xf32>
    %mul3A_51 = arith.mulf %mul3A_42, %mul3A_42 : vector<1x128xf32>
    %sub3A_52 = arith.subf %mul3A_50, %mul3A_51 : vector<1x128xf32>
    %add3A_53 = arith.constant 9.99999974E-6 : f32
    %add3A_54 = vector.broadcast %add3A_53 : f32 to vector<1x128xf32>
    %add3A_55 = arith.addf %sub3A_52, %add3A_54 : vector<1x128xf32>
    %rsqrt3A_56 = math.rsqrt %add3A_55 : vector<1x128xf32>
    %get3A_57 = arith.constant 1 : index
    %get3A_58 = arith.constant 0 : index
    %get3A_59 = arith.constant 0 : index
    %get3A_60 = vector.load %arg1[%get3A_57, %get3A_58, %get3A_59] : memref<2x2000x128xf32, #tpu.memory_space<vmem>>, vector<1x2000x128xf32>
    %get3A_61 = vector.shape_cast %get3A_60 : vector<1x2000x128xf32> to vector<2000x128xf32>
    %sub3A_62 = vector.broadcast %mul3A_42 : vector<1x128xf32> to vector<2000x128xf32>
    %sub3A_63 = arith.subf %get3A_61, %sub3A_62 : vector<2000x128xf32>
    %get3A_64 = arith.constant 1 : index
    %get3A_65 = arith.constant 0 : index
    %get3A_66 = vector.load %arg3[%get3A_64, %get3A_65] : memref<2x128xf32, #tpu.memory_space<vmem>>, vector<1x128xf32>
    %mul3A_67 = arith.mulf %rsqrt3A_56, %get3A_66 : vector<1x128xf32>
    %mul3A_68 = vector.broadcast %mul3A_67 : vector<1x128xf32> to vector<2000x128xf32>
    %mul3A_69 = arith.mulf %sub3A_63, %mul3A_68 : vector<2000x128xf32>
    %get3A_70 = arith.constant 1 : index
    %get3A_71 = arith.constant 0 : index
    %get3A_72 = vector.load %arg4[%get3A_70, %get3A_71] : memref<2x128xf32, #tpu.memory_space<vmem>>, vector<1x128xf32>
    %add3A_73 = vector.broadcast %get3A_72 : vector<1x128xf32> to vector<2000x128xf32>
    %add3A_74 = arith.addf %mul3A_69, %add3A_73 : vector<2000x128xf32>
    %concatenate3A = tpu.concatenate %add3A_34, %add3A_74 in 1 : vector<2000x128xf32>, vector<2000x128xf32> -> vector<2000x256xf32>
    %get3A_75 = arith.constant 0 : index
    %get3A_76 = arith.constant 0 : index
    %get3A_77 = vector.load %arg5[%get3A_75, %get3A_76] : memref<2000x256xf32, #tpu.memory_space<vmem>>, vector<2000x256xf32>
    %add3A_78 = arith.addf %concatenate3A, %get3A_77 : vector<2000x256xf32>
    %max3A = arith.constant 0.000000e+00 : f32
    %max3A_79 = vector.broadcast %max3A : f32 to vector<2000x256xf32>
    %max3A_80 = arith.maximumf %add3A_78, %max3A_79 : vector<2000x256xf32>
    %swap3A = arith.constant 0 : index
    %swap3A_81 = arith.constant 0 : index
    %swap3A_82 = vector.load %arg6[%swap3A, %swap3A_81] : memref<2000x256xf32, #tpu.memory_space<vmem>>, vector<2000x256xf32>
    tpu.vector_store %arg6[%swap3A, %swap3A_81], %max3A_80 {strides = array<i32>} : memref<2000x256xf32, #tpu.memory_space<vmem>>, vector<2000x256xf32>,
    return
  }
  func.func @transform_0(%arg0: i32) -> (i32, i32, i32) {
    %c0_i32 = arith.constant 0 : i32
    %c0_i32_0 = arith.constant 0 : i32
    %c0_i32_1 = arith.constant 0 : i32
    return %c0_i32, %arg0, %c0_i32_0 : i32, i32, i32
  }
  func.func @transform_1(%arg0: i32) -> (i32, i32, i32) {
    %c0_i32 = arith.constant 0 : i32
    %c0_i32_0 = arith.constant 0 : i32
    %c0_i32_1 = arith.constant 0 : i32
    %c0_i32_2 = arith.constant 0 : i32
    return %c0_i32, %c0_i32_0, %c0_i32_1 : i32, i32, i32
  }
  func.func @transform_2(%arg0: i32) -> (i32, i32) {
    %c0_i32 = arith.constant 0 : i32
    %c0_i32_0 = arith.constant 0 : i32
    %c0_i32_1 = arith.constant 0 : i32
    return %c0_i32, %c0_i32_0 : i32, i32
  }
  func.func @transform_3(%arg0: i32) -> (i32, i32) {
    %c0_i32 = arith.constant 0 : i32
    %c0_i32_0 = arith.constant 0 : i32
    %c0_i32_1 = arith.constant 0 : i32
    return %c0_i32, %c0_i32_0 : i32, i32
  }
  func.func @transform_4(%arg0: i32) -> (i32, i32) {
    %c0_i32 = arith.constant 0 : i32
    %c0_i32_0 = arith.constant 0 : i32
    return %arg0, %c0_i32 : i32, i32
  }
  func.func @transform_5(%arg0: i32) -> (i32, i32) {
    %c0_i32 = arith.constant 0 : i32
    %c0_i32_0 = arith.constant 0 : i32
    return %arg0, %c0_i32 : i32, i32
  }
}

</mosaic_0001>

<sc_bundles>
// kernel: kernel.10.cloned.1.call-start
scs
__scs_entry_jumppad:
0x0: {  	(pc) =	sbr.rel $0x88, $3  }
0x1: {  	(tag) =	ssettag $0x0;
	lr =	simm.s32 $0x1  }
0x2: {  	[smem:$0x3F99] =	sst lr;
	_ =	strace $0xD0000000  }
0x3: {  	_ = 	snop  }
0x4: {  	_ = 	snop  }
0x5: {  	_ = 	snop  }
0x6: {  	_ = 	snop  }
0x7: {  	_ = 	snop  }
__scs_overlays_trampoline_lowered:
0x8: {  	[smem:$0x3FA8] =	sst s0  }
0x9: {  	[smem:$0x3FA9] =	sst s1  }
0xa: {  	[smem:$0x3FAA] =	sst s2  }
0xb: {  	[smem:$0x3FAB] =	sst s3  }
0xc: {  	[smem:$0x3FAC] =	sst s4  }
0xd: {  	[smem:$0x3FAD] =	sst s5  }
0xe: {  	[smem:$0x3FAE] =	sst s6  }
0xf: {  	[smem:$0x3FAF] =	sst s7  }
0x10: {  	[smem:$0x3FB0] =	sst s8  }
0x11: {  	[smem:$0x3FB1] =	sst s9;
	s0 =	simm.s32 @!p0 $0x0  }
0x12: {  	s1 =	sld [smem:$0x3F97];
	s0 =	simm.s32 @p0 $0x1  }
0x13: {  	[smem:$0x3FB2] =	sst s0;
	s0 =	simm.s32 @!p1 $0x0  }
0x14: {  	s2 =	sld [smem:$0x3F96];
	s0 =	simm.s32 @p1 $0x1  }
0x15: {  	[smem:$0x3FB3] =	sst s0;
	s0 =	simm.s32 @!p2 $0x0  }
0x16: {  	s3 =	sld [smem:$0x3FDB];
	s0 =	simm.s32 @p2 $0x1  }
0x17: {  	s4 =	simm.s32 $0x1BF5;
	[smem:$0x3FB5] =	sst s0  }
0x18: {  	s0 =	sld [smem:$0x3F98];
	_ =	swait.ge [sflag:s4], $0x0  }
0x19: {  	s7 =	sld [smem:$0x3F99]  }
0x1a: {  	s8 =	sadd.s32 $0xFFFFE003, lr  }
0x1b: {  	s9 =	sadd.s32 $0xFFFFFEF7, lr;
	s5 =	simm.s32 $0xFFFFFFFF;
	p2 =	slt.u32 s8, $0xFFFFF086  }
0x1c: {  	p1 =	slt.u32 s9, $0xF7A;
	s5 =	simm.s32 @!p2 $0x0  }
0x1d: {  	s5 =	simm.s32 @p1 $0x1;
	p0 =	seq.s32 s7, s2  }
0x1e: {  	s7 =	smul.u32 @!p0 $0xF7A, s2;
	p2 =	seq.s32 @!p0 s5, $0x0  }
0x1f: {  	s9 =	smul.u32 $0xF7A, s1;
	s8 =	simm.s32 @!p0 $0x1BF5;
	p2 =	por !p2, p0  }
0x20: {  	[sflag:s8] =	ssyncset.s32 @!p0 $0xFFFFF086;
	s6 =	sadd.s32 @!p0 s3, s7;
	s7 =	simm.s32 @!p0 $0x108  }
0x21: {  	s3 =	sadd.s32 s3, s9;
	s6 =	sadd.s32 @!p0 $0x88, s6;
	s7 =	simm.s32 @p2 $0x1082  }
0x22: {  	[simem:s7], [sflag:s8] =	dma.local @!p0 [hbm:s6], $0xF7A  }
0x23: {  	s9 =	sor.u32 $0xD0000000, s2;
	s6 =	simm.s32 $0x108;
	_ =	swait.ge @!p0 [sflag:s8], $0x0  }
0x24: {  	s3 =	sadd.s32 $0x88, s3;
	s6 =	simm.s32 @!p1 $0x1082;
	[sflag:s4] =	ssyncset.s32 $0xFFFFF086  }
0x25: {  	[simem:s6], [sflag:s4] =	dma.local [hbm:s3], $0xF7A  }
0x26: {  	[smem:$0x3F99] =	sst s1;
	(tag) =	ssettag s2;
	_ =	strace s9  }
0x27: {  	s1 =	sld [smem:$0x3FA9]  }
0x28: {  	s2 =	sld [smem:$0x3FAA]  }
0x29: {  	s4 =	sld [smem:$0x3FAC]  }
0x2a: {  	p0 =	seq.s32 s5, $0x0;
	s5 =	sld [smem:$0x3FAD]  }
0x2b: {  	s6 =	sld [smem:$0x3FAE]  }
0x2c: {  	s7 =	sld [smem:$0x3FAF]  }
0x2d: {  	s3 =	simm.s32 $0x108;
	s8 =	sld [smem:$0x3FB0]  }
0x2e: {  	s3 =	simm.s32 @!p0 $0x1082;
	s9 =	sld [smem:$0x3FB1]  }
0x2f: {  	lr =	sadd.s32 s0, s3;
	s0 =	sld [smem:$0x3FA8]  }
0x30: {  	s3 =	sld [smem:$0x3FAB]  }
0x31: {  	[smem:$0x3FB4] =	sst s10  }
0x32: {  	s10 =	sld [smem:$0x3FB2];
	_ =	sdelay $0x3  }
0x33: {  	p0 =	seq.s32 s10, $0x1;
	s10 =	sld [smem:$0x3FB4];
	_ =	sdelay $0x3  }
0x34: {  	[smem:$0x3FB4] =	sst s10  }
0x35: {  	s10 =	sld [smem:$0x3FB3];
	_ =	sdelay $0x3  }
0x36: {  	p1 =	seq.s32 s10, $0x1;
	s10 =	sld [smem:$0x3FB4];
	_ =	sdelay $0x3  }
0x37: {  	[smem:$0x3FB4] =	sst s10  }
0x38: {  	s10 =	sld [smem:$0x3FB5]  }
0x39: {  	_ = 	snop;
	(pc) =	sbr.ind lr, $3  }
0x3a: {  	_ = 	snop  }
0x3b: {  	_ = 	snop  }
0x3c: {  	p2 =	seq.s32 s10, $0x1;
	s10 =	sld [smem:$0x3FB4]  }
0x3d: {  	_ =	shalt  }
0x3e: {  	_ =	shalt  }
0x3f: {  	_ =	shalt  }
0x40: {  	_ =	shalt  }
0x41: {  	_ =	shalt  }
0x42: {  	_ =	shalt  }
0x43: {  	_ =	shalt  }
0x44: {  	_ =	shalt  }
0x45: {  	_ =	shalt  }
0x46: {  	_ =	shalt  }
0x47: {  	_ =	shalt  }
0x48: {  	_ =	shalt  }
0x49: {  	_ =	shalt  }
0x4a: {  	_ =	shalt  }
0x4b: {  	_ =	shalt  }
0x4c: {  	_ =	shalt  }
0x4d: {  	_ =	shalt  }
0x4e: {  	_ =	shalt  }
0x4f: {  	_ =	shalt  }
0x50: {  	_ =	shalt  }
0x51: {  	_ =	shalt  }
0x52: {  	_ =	shalt  }
0x53: {  	_ =	shalt  }
0x54: {  	_ =	shalt  }
0x55: {  	_ =	shalt  }
0x56: {  	_ =	shalt  }
0x57: {  	_ =	shalt  }
0x58: {  	_ =	shalt  }
0x59: {  	_ =	shalt  }
0x5a: {  	_ =	shalt  }
0x5b: {  	_ =	shalt  }
0x5c: {  	_ =	shalt  }
0x5d: {  	_ =	shalt  }
0x5e: {  	_ =	shalt  }
0x5f: {  	_ =	shalt  }
0x60: {  	_ =	shalt  }
0x61: {  	_ =	shalt  }
0x62: {  	_ =	shalt  }
0x63: {  	_ =	shalt  }
0x64: {  	_ =	shalt  }
0x65: {  	_ =	shalt  }
0x66: {  	_ =	shalt  }
0x67: {  	_ =	shalt  }
0x68: {  	_ =	shalt  }
0x69: {  	_ =	shalt  }
0x6a: {  	_ =	shalt  }
0x6b: {  	_ =	shalt  }
0x6c: {  	_ =	shalt  }
0x6d: {  	_ =	shalt  }
0x6e: {  	_ =	shalt  }
0x6f: {  	_ =	shalt  }
0x70: {  	_ =	shalt  }
0x71: {  	_ =	shalt  }
0x72: {  	_ =	shalt  }
0x73: {  	_ =	shalt  }
0x74: {  	_ =	shalt  }
0x75: {  	_ =	shalt  }
0x76: {  	_ =	shalt  }
0x77: {  	_ =	shalt  }
0x78: {  	_ =	shalt  }
0x79: {  	_ =	shalt  }
0x7a: {  	_ =	shalt  }
0x7b: {  	_ =	shalt  }
0x7c: {  	_ =	shalt  }
0x7d: {  	_ =	shalt  }
0x7e: {  	_ =	shalt  }
0x7f: {  	_ =	shalt  }
0x80: {  	_ =	shalt  }
0x81: {  	_ =	shalt  }
0x82: {  	_ =	shalt  }
0x83: {  	_ =	shalt  }
0x84: {  	_ =	shalt  }
0x85: {  	_ =	shalt  }
0x86: {  	_ =	shalt  }
0x87: {  	_ =	shalt  }
.Lfunc_end0:
.L_simem_size_0:
called_computation_lowered:
.L_overlay_start_0:
0x88: {  	s2 =	sld [smem:$0x3FD9]  }
0x89: {  	s3 =	sld [smem:$0x3FFE];
	_ =	sdelay $0x1  }
0x8a: {  	s1 =	srdreg.scid  }
0x8b: {  	s0 =	sand.u32 $0x1, s1  }
0x8c: {  	s16 =	sshll.u32 s0, $0xA;
	s2 =	sadd.s32 s3, s2  }
0x8d: {  	s2 =	sadd.s32 s2, s16  }
0x8e: {  	[smem:$0x3FC0] =	sst s2  }
0x8f: {  	_ = 	snop  }
0x90: {  	(tm) =	ssettm $0x1  }
0x91: {  	s17 =	sld [smem:$0x3FFB];
	_ =	sdelay $0x3  }
0x92: {  	_ =	strace s17  }
0x93: {  	s2 =	sld [smem:$0x3FFC];
	_ =	sdelay $0x3  }
0x94: {  	_ =	strace s2  }
0x95: {  	s2 =	sld [smem:$0x3FFD];
	_ =	sdelay $0x3  }
0x96: {  	_ =	strace s2  }
0x97: {  	_ =	strace $0x8FFFFFFF  }
0x98: {  	s18 =	sld [smem:$0x3FDB];
	_ =	sdelay $0x1  }
0x99: {  	s19 =	simm.s32 $_scs_section_size  }
0x9a: {  	s4 =	simm.s32 $_size__tile_overlayer_lowered;
	s5 =	simm.s32 $_tile_overlayer_lowered  }
0x9b: {  	s22 =	simm.s32 $0x1BFF;
	s21 =	sshll.u32 s5, $0x1;
	s2 =	sadd.s32 s19, s18  }
0x9c: {  	s6 =	simm.s32 $0x0;
	s20 =	sshll.u32 s4, $0x1;
	s4 =	sadd.s32 s21, s2  }
0x9d: {  	[timem:s6], [sflag:s22] =	dma.local [hbm:s4], s20  }
0x9e: {  	_ =	swait.ge [sflag:s22], s20  }
0x9f: {  	s3 =	ssub.s32 $0x0, s20;
	[sflag:s22] =	ssyncset.done $0x0  }
0xa0: {  	[sflag:s22] =	ssyncadd.s32 s3;
	_ =	sdelay $0x1  }
0xa1: {  	s23 =	simm.s32 $0x1B8B  }
0xa2: {  	_ =	swait.ge [sflag:s23], $0x1  }
0xa3: {  	[sflag:s23] =	ssyncset.done $0x0  }
0xa4: {  	s25 =	simm.s32 $0x1B8E;
	s24 =	sld [smem:$0x3FFE];
	[sflag:s23] =	ssyncadd.s32 $0xFFFFFFFF  }
0xa5: {  	s26 =	simm.s32 $execute0_lowered;
	[smem:$0x3FD2] =	sst s25  }
0xa6: {  	s4 =	sshll.u32 s26, $0x1;
	_ =	strace $0x80000046;
	[dreg:$0x1] =	wrdreg $0xFFFFFFFF  }
0xa7: {  	s28 =	simm.s32 $_size_execute0_lowered;
	s2 =	sadd.s32 s2, s4;
	[dreg:$0x0] =	wrdreg $0x0  }
0xa8: {  	s4 =	sshll.u32 s28, $0x1;
	[dreg:$0x2] =	wrdreg s2  }
0xa9: {  	[dreg:$0x3] =	wrdreg s4  }
0xaa: {  	[dreg:$0x4] =	wrdreg $0xC0  }
0xab: {  	_ =	task [dreg:s6], $0x5FFFF  }
0xac: {  	[dreg:$0x1] =	wrdreg $0xFFFFFFFF  }
0xad: {  	[dreg:$0x0] =	wrdreg $0x60  }
0xae: {  	[dreg:$0x2] =	wrdreg s24  }
0xaf: {  	[dreg:$0x3] =	wrdreg $0x68000  }
0xb0: {  	[dreg:$0x4] =	wrdreg $0x9  }
0xb1: {  	_ =	task.clear_ibuf [dreg:s6], $0x5FFFF;
	_ =	strace $0x90000046  }
0xb2: {  	s29 =	simm.s32 $0x9;
	_ =	strace $0x80000048  }
0xb3: {  	_ =	swait.ge [sflag:s29], $0x1  }
0xb4: {  	[sflag:s29] =	ssyncadd.s32 $0xFFFFFFFF  }
0xb5: {  	_ =	strace $0x90000048  }
0xb6: {  	_ =	sfence  }
0xb7: {  	s30 =	sld [smem:$0x0];
	_ =	sdelay $0x2  }
0xb8: {  	s31 =	sshll.u32 s1, $0xD;
	s1 =	sshrl.u32 s1, $0x2  }
0xb9: {  	s3 =	sand.u32 $0x4000, s31;
	s1 =	sadd.s32 s1, s30  }
0xba: {  	s0 =	sor.u32 s3, s0;
	s1 =	sshll.u32 s1, $0x11  }
0xbb: {  	s0 =	sor.u32 s1, s0  }
0xbc: {  	s0 =	sadd.s32 $0x8F2B, s0  }
0xbd: {  	[sflag:s0] =	ssyncadd.remote.s32 $0x1  }
0xbe: {  	_ =	sfence.sel $0xFFFF  }
0xbf: {  	[dreg:$0x0] =	wrdreg $0xFFFFFFFF;
	(pc) =	sbr.abs _section_cstart, $3  }
0xc0: {  	[dreg:$0x1] =	wrdreg $0xFFFFFFFF  }
0xc1: {  	_ =	task.clear_ibuf [dreg:s6], $0x2FFFF;
	_ =	strace $0x9FFFFFFF  }
0xc2: {  	(tm) =	ssettm $0x7FFFFFFF  }
0xc3: {  	_ =	shalt  }
tec
execute0_lowered:
.L_overlay_start_1:
0x0: {  	(tag) =	ssettag $0x1  }
0x1: {  	s4 =	rddreg [dreg:$0x0];
	s0 =	srdreg.scid  }
0x2: {  	s2 =	rddreg [dreg:$0x1];
	s1 =	stileid.u32;
	s3 =	simm.s32 $0x0  }
0x3: {  	s13 =	simm.s32 $0x1;
	s14 =	simm.s32 $0x2800;
	s6 =	smul.u32 $0x13C00, s1  }
0x4: {  	s15 =	simm.s32 $0x80;
	s18 =	simm.s32 $0x0;
	s7 =	smul.u32 $0x500, s1  }
0x5: {  	s8 =	sand.u32 $0x1, s0;
	s0 =	rddreg [dreg:$0x2];
	s29 =	smul.u32 $0x4F000, s1  }
0x6: {  	[smem:$0x7FF] =	sst s3;
	s16 =	sshll.u32 s1, $0x6;
	s5 =	smul.u32 $0x13C000, s8  }
0x7: {  	_ =	strace $0x80000047;
	s9 =	ssub.s32 $0x2, s8;
	s12 =	smul.u32 $0x5000, s8  }
0x8: {  	s16 =	sor.u32 $0x1C01, s16;
	s7 =	sadd.s32 s7, s4;
	s30 =	sshrl.u32 s9, $0x1  }
0x9: {  	s31 =	sshrl.u32 s29, $0x2;
	s5 =	sadd.s32 s6, s5;
	s11 =	ssub.s32 s9, s30  }
0xa: {  	s12 =	sshrl.u32 s12, $0x2;
	s5 =	sshrl.u32 s5, $0x3;
	s11 =	smax.u32 s11, $0x1  }
0xb: {  	s10 =	sadd.s32 s5, s4;
	s4 =	sadd.s32 $0x2C00, s7;
	s5 =	sadd.s32 s31, s2  }
0xc: {  	s6 =	sadd.s32 $0x4000, s5;
	s7 =	sadd.s32 $0x8000, s5;
	s8 =	sadd.s32 $0xC000, s5  }
0xd: {  	v0 =	vimm.f32 $1.000000000e+00;
	s9 =	sadd.s32 $0x10000, s5;
	s10 =	sadd.s32 $0x7C00, s10;
	s17 =	sshrl.u32 s5, $0x3  }
.LBB2_1:
0xe: {  	[tilespmem:s3], [sflag:$0x1] =	stream.linear.gather [hbm4b:s4+s3], $0x2800, $0x38;
	[tilespmem:$0x8F80] =	vst v63  }
0xf: {  	_ =	swait.ge [sflag:s13], $0x2800  }
0x10: {  	[sflag:s13] =	ssyncset.done $0x0  }
0x11: {  	s19 =	simm.s32 $0x200;
	s20 =	simm.s32 $0x0;
	[sflag:s13] =	ssyncadd.s32 $0xFFFFD800  }
.LBB2_2:
0x12: {  	p0 =	sne.s32 s19, $0xFE00;
	[tilespmem:s20+$0x2800] =	vst v0;
	s20 =	smov.u32 s19;
	s19 =	sadd.s32 $0x200, s19  }
.Ltmp0:
0x13: {  	(pc) =	sbr.rel @p0 .LBB2_2-.Ltmp0, $2  }
0x14: {  	_ =	sdelay $0x2  }
0x15: {  	s20 =	sshra.s32 s20, $0x2  }
0x16: {  	[tilespmem:s20+$0x2800] =	vst v0  }
0x17: {  	[spmem:s5] =	stream.linear.scatter [tilespmem:s14], [sflag:$0x1], $0x4000, $0x38;
	[tilespmem:$0x8F80] =	vst v63  }
0x18: {  	_ =	swait.ge [sflag:s13], $0x4000  }
0x19: {  	[sflag:s13] =	ssyncset.done $0x0  }
0x1a: {  	[sflag:s13] =	ssyncadd.s32 $0xFFFFC000  }
0x1b: {  	[spmem:s6] =	stream.linear.scatter [tilespmem:s14], [sflag:$0x1], $0x4000, $0x38;
	[tilespmem:$0x8F80] =	vst v63  }
0x1c: {  	_ =	swait.ge [sflag:s13], $0x4000  }
0x1d: {  	[sflag:s13] =	ssyncset.done $0x0  }
0x1e: {  	[sflag:s13] =	ssyncadd.s32 $0xFFFFC000  }
0x1f: {  	[spmem:s7] =	stream.linear.scatter [tilespmem:s14], [sflag:$0x1], $0x4000, $0x38;
	[tilespmem:$0x8F80] =	vst v63  }
0x20: {  	_ =	swait.ge [sflag:s13], $0x4000  }
0x21: {  	[sflag:s13] =	ssyncset.done $0x0  }
0x22: {  	[sflag:s13] =	ssyncadd.s32 $0xFFFFC000  }
0x23: {  	[spmem:s8] =	stream.linear.scatter [tilespmem:s14], [sflag:$0x1], $0x4000, $0x38;
	[tilespmem:$0x8F80] =	vst v63  }
0x24: {  	_ =	swait.ge [sflag:s13], $0x4000  }
0x25: {  	[sflag:s13] =	ssyncset.done $0x0  }
0x26: {  	[sflag:s13] =	ssyncadd.s32 $0xFFFFC000  }
0x27: {  	[spmem:s9] =	stream.linear.scatter [tilespmem:s14], [sflag:$0x1], $0x3C00, $0x38;
	[tilespmem:$0x8F80] =	vst v63  }
0x28: {  	_ =	swait.ge [sflag:s13], $0x3C00  }
0x29: {  	[sflag:s13] =	ssyncset.done $0x0  }
0x2a: {  	[sflag:s13] =	ssyncadd.s32 $0xFFFFC400  }
0x2b: {  	s19 =	sadd.s32 $0x0, s12;
	[bflag:$0x0] =	sbarrier.arrive $0xFFFF  }
0x2c: {  	[spmem:s2] =	stream.indirect.scatter.add.f32 [tilespmem:s14], [sflag:$0x1], $0x10, s19, s15, $0xb8;
	[tilespmem:$0x8F80] =	vst v63  }
0x2d: {  	s19 =	simm.s32 $0x200;
	_ =	swait.ge [sflag:s13], $0x800  }
.LBB2_4:
0x2e: {  	s20 =	sshra.s32 s19, $0x2;
	[sflag:s13] =	ssyncset.done $0x0;
	p0 =	sne.s32 s19, $0x4E00  }
.Ltmp1:
0x2f: {  	s20 =	sadd.s32 s20, s12;
	[sflag:s13] =	ssyncadd.s32 $0xFFFFF800;
	(pc) =	sbr.rel @p0 .LBB2_4-.Ltmp1, $3  }
0x30: {  	[spmem:s2] =	stream.indirect.scatter.add.f32 [tilespmem:s14], [sflag:$0x1], $0x10, s20, s15, $0xb8;
	[tilespmem:$0x8F80] =	vst v63  }
0x31: {  	s19 =	sadd.s32 $0x200, s19;
	_ =	sdelay $0x1  }
0x32: {  	_ =	swait.ge [sflag:s13], $0x800  }
0x33: {  	[sflag:s13] =	ssyncset.done $0x0;
	s18 =	sadd.s32 $0x1, s18  }
0x34: {  	[sflag:s13] =	ssyncadd.s32 $0xFFFFF800;
	p0 =	sne.s32 s18, s11  }
.Ltmp2:
0x35: {  	[bflag:$0x0] =	sbarrier.arrive $0xFFFF;
	(pc) =	sbr.rel @p0 .LBB2_1-.Ltmp2, $4  }
0x36: {  	[hbm:s10], [sflag:s16] =	dma.local [spmem:s17], $0x2780  }
0x37: {  	_ =	swait.ge [sflag:s13], $0x2780  }
0x38: {  	[sflag:s13] =	ssyncset.done $0x0  }
0x39: {  	[sflag:s13] =	ssyncadd.s32 $0xFFFFD880  }
0x3a: {  	_ =	sfence.sel $0x180000  }
0x3b: {  	[bflag:$0x0] =	sbarrier.arrive $0xFFFF  }
0x3c: {  	p0 =	sne.s32 s1, $0x0;
	_ =	strace $0x90000047  }
0x3d: {  	s0 =	sadd.s32 @!p0 $0x100000, s0;
	[bflag:$0x2] =	sbarrier.arrive $0xFFFF  }
0x3e: {  	[sflag:s0] =	ssyncadd.tile.s32 @!p0 $0x1;
	_ =	shalt  }
.Lfunc_end2:
_tile_overlayer_lowered:
.L_overlay_start_2:
0x3f: {  	(tag) =	ssettag $0x2  }
0x40: {  	s0 =	rddreg [dreg:$0x0];
	s2 =	stileid.u32  }
0x41: {  	s1 =	rddreg [dreg:$0x1];
	p0 =	sne.s32 s2, $0x0  }
0x42: {  	s3 =	rddreg [dreg:$0x2];
	[bflag:$0x3] =	sbarrier.arrive $0xFFFF;
	s2 =	simm.s32 @!p0 $0x1C01  }
0x43: {  	[timem:s3], [sflag:s2] =	dma.local @!p0 [hbm:s0], s1  }
0x44: {  	s0 =	simm.s32 @!p0 $0x1  }
0x45: {  	_ =	swait.ge @!p0 [sflag:s0], s1  }
0x46: {  	s1 =	ssub.s32 @!p0 $0x0, s1;
	[sflag:s0] =	ssyncset.done @!p0 $0x0  }
0x47: {  	[sflag:s0] =	ssyncadd.s32 @!p0 s1  }
0x48: {  	[bflag:$0x3] =	sbarrier.arrive $0xFFFF  }
0x49: {  	_ =	shalt  }

// kernel: kernel.13.cloned.1.call-start
scs
__scs_entry_jumppad:
0x0: {  	(pc) =	sbr.rel $0x88, $3  }
0x1: {  	(tag) =	ssettag $0x0;
	lr =	simm.s32 $0x1  }
0x2: {  	[smem:$0x3F99] =	sst lr;
	_ =	strace $0xD0000000  }
0x3: {  	_ = 	snop  }
0x4: {  	_ = 	snop  }
0x5: {  	_ = 	snop  }
0x6: {  	_ = 	snop  }
0x7: {  	_ = 	snop  }
__scs_overlays_trampoline_lowered:
0x8: {  	[smem:$0x3FA8] =	sst s0  }
0x9: {  	[smem:$0x3FA9] =	sst s1  }
0xa: {  	[smem:$0x3FAA] =	sst s2  }
0xb: {  	[smem:$0x3FAB] =	sst s3  }
0xc: {  	[smem:$0x3FAC] =	sst s4  }
0xd: {  	[smem:$0x3FAD] =	sst s5  }
0xe: {  	[smem:$0x3FAE] =	sst s6  }
0xf: {  	[smem:$0x3FAF] =	sst s7  }
0x10: {  	[smem:$0x3FB0] =	sst s8  }
0x11: {  	[smem:$0x3FB1] =	sst s9;
	s0 =	simm.s32 @!p0 $0x0  }
0x12: {  	s1 =	sld [smem:$0x3F97];
	s0 =	simm.s32 @p0 $0x1  }
0x13: {  	[smem:$0x3FB2] =	sst s0;
	s0 =	simm.s32 @!p1 $0x0  }
0x14: {  	s2 =	sld [smem:$0x3F96];
	s0 =	simm.s32 @p1 $0x1  }
0x15: {  	[smem:$0x3FB3] =	sst s0;
	s0 =	simm.s32 @!p2 $0x0  }
0x16: {  	s3 =	sld [smem:$0x3FDB];
	s0 =	simm.s32 @p2 $0x1  }
0x17: {  	s4 =	simm.s32 $0x1BF5;
	[smem:$0x3FB5] =	sst s0  }
0x18: {  	s0 =	sld [smem:$0x3F98];
	_ =	swait.ge [sflag:s4], $0x0  }
0x19: {  	s7 =	sld [smem:$0x3F99]  }
0x1a: {  	s8 =	sadd.s32 $0xFFFFE003, lr  }
0x1b: {  	s9 =	sadd.s32 $0xFFFFFEF7, lr;
	s5 =	simm.s32 $0xFFFFFFFF;
	p2 =	slt.u32 s8, $0xFFFFF086  }
0x1c: {  	p1 =	slt.u32 s9, $0xF7A;
	s5 =	simm.s32 @!p2 $0x0  }
0x1d: {  	s5 =	simm.s32 @p1 $0x1;
	p0 =	seq.s32 s7, s2  }
0x1e: {  	s7 =	smul.u32 @!p0 $0xF7A, s2;
	p2 =	seq.s32 @!p0 s5, $0x0  }
0x1f: {  	s9 =	smul.u32 $0xF7A, s1;
	s8 =	simm.s32 @!p0 $0x1BF5;
	p2 =	por !p2, p0  }
0x20: {  	[sflag:s8] =	ssyncset.s32 @!p0 $0xFFFFF086;
	s6 =	sadd.s32 @!p0 s3, s7;
	s7 =	simm.s32 @!p0 $0x108  }
0x21: {  	s3 =	sadd.s32 s3, s9;
	s6 =	sadd.s32 @!p0 $0x88, s6;
	s7 =	simm.s32 @p2 $0x1082  }
0x22: {  	[simem:s7], [sflag:s8] =	dma.local @!p0 [hbm:s6], $0xF7A  }
0x23: {  	s9 =	sor.u32 $0xD0000000, s2;
	s6 =	simm.s32 $0x108;
	_ =	swait.ge @!p0 [sflag:s8], $0x0  }
0x24: {  	s3 =	sadd.s32 $0x88, s3;
	s6 =	simm.s32 @!p1 $0x1082;
	[sflag:s4] =	ssyncset.s32 $0xFFFFF086  }
0x25: {  	[simem:s6], [sflag:s4] =	dma.local [hbm:s3], $0xF7A  }
0x26: {  	[smem:$0x3F99] =	sst s1;
	(tag) =	ssettag s2;
	_ =	strace s9  }
0x27: {  	s1 =	sld [smem:$0x3FA9]  }
0x28: {  	s2 =	sld [smem:$0x3FAA]  }
0x29: {  	s4 =	sld [smem:$0x3FAC]  }
0x2a: {  	p0 =	seq.s32 s5, $0x0;
	s5 =	sld [smem:$0x3FAD]  }
0x2b: {  	s6 =	sld [smem:$0x3FAE]  }
0x2c: {  	s7 =	sld [smem:$0x3FAF]  }
0x2d: {  	s3 =	simm.s32 $0x108;
	s8 =	sld [smem:$0x3FB0]  }
0x2e: {  	s3 =	simm.s32 @!p0 $0x1082;
	s9 =	sld [smem:$0x3FB1]  }
0x2f: {  	lr =	sadd.s32 s0, s3;
	s0 =	sld [smem:$0x3FA8]  }
0x30: {  	s3 =	sld [smem:$0x3FAB]  }
0x31: {  	[smem:$0x3FB4] =	sst s10  }
0x32: {  	s10 =	sld [smem:$0x3FB2];
	_ =	sdelay $0x3  }
0x33: {  	p0 =	seq.s32 s10, $0x1;
	s10 =	sld [smem:$0x3FB4];
	_ =	sdelay $0x3  }
0x34: {  	[smem:$0x3FB4] =	sst s10  }
0x35: {  	s10 =	sld [smem:$0x3FB3];
	_ =	sdelay $0x3  }
0x36: {  	p1 =	seq.s32 s10, $0x1;
	s10 =	sld [smem:$0x3FB4];
	_ =	sdelay $0x3  }
0x37: {  	[smem:$0x3FB4] =	sst s10  }
0x38: {  	s10 =	sld [smem:$0x3FB5]  }
0x39: {  	_ = 	snop;
	(pc) =	sbr.ind lr, $3  }
0x3a: {  	_ = 	snop  }
0x3b: {  	_ = 	snop  }
0x3c: {  	p2 =	seq.s32 s10, $0x1;
	s10 =	sld [smem:$0x3FB4]  }
0x3d: {  	_ =	shalt  }
0x3e: {  	_ =	shalt  }
0x3f: {  	_ =	shalt  }
0x40: {  	_ =	shalt  }
0x41: {  	_ =	shalt  }
0x42: {  	_ =	shalt  }
0x43: {  	_ =	shalt  }
0x44: {  	_ =	shalt  }
0x45: {  	_ =	shalt  }
0x46: {  	_ =	shalt  }
0x47: {  	_ =	shalt  }
0x48: {  	_ =	shalt  }
0x49: {  	_ =	shalt  }
0x4a: {  	_ =	shalt  }
0x4b: {  	_ =	shalt  }
0x4c: {  	_ =	shalt  }
0x4d: {  	_ =	shalt  }
0x4e: {  	_ =	shalt  }
0x4f: {  	_ =	shalt  }
0x50: {  	_ =	shalt  }
0x51: {  	_ =	shalt  }
0x52: {  	_ =	shalt  }
0x53: {  	_ =	shalt  }
0x54: {  	_ =	shalt  }
0x55: {  	_ =	shalt  }
0x56: {  	_ =	shalt  }
0x57: {  	_ =	shalt  }
0x58: {  	_ =	shalt  }
0x59: {  	_ =	shalt  }
0x5a: {  	_ =	shalt  }
0x5b: {  	_ =	shalt  }
0x5c: {  	_ =	shalt  }
0x5d: {  	_ =	shalt  }
0x5e: {  	_ =	shalt  }
0x5f: {  	_ =	shalt  }
0x60: {  	_ =	shalt  }
0x61: {  	_ =	shalt  }
0x62: {  	_ =	shalt  }
0x63: {  	_ =	shalt  }
0x64: {  	_ =	shalt  }
0x65: {  	_ =	shalt  }
0x66: {  	_ =	shalt  }
0x67: {  	_ =	shalt  }
0x68: {  	_ =	shalt  }
0x69: {  	_ =	shalt  }
0x6a: {  	_ =	shalt  }
0x6b: {  	_ =	shalt  }
0x6c: {  	_ =	shalt  }
0x6d: {  	_ =	shalt  }
0x6e: {  	_ =	shalt  }
0x6f: {  	_ =	shalt  }
0x70: {  	_ =	shalt  }
0x71: {  	_ =	shalt  }
0x72: {  	_ =	shalt  }
0x73: {  	_ =	shalt  }
0x74: {  	_ =	shalt  }
0x75: {  	_ =	shalt  }
0x76: {  	_ =	shalt  }
0x77: {  	_ =	shalt  }
0x78: {  	_ =	shalt  }
0x79: {  	_ =	shalt  }
0x7a: {  	_ =	shalt  }
0x7b: {  	_ =	shalt  }
0x7c: {  	_ =	shalt  }
0x7d: {  	_ =	shalt  }
0x7e: {  	_ =	shalt  }
0x7f: {  	_ =	shalt  }
0x80: {  	_ =	shalt  }
0x81: {  	_ =	shalt  }
0x82: {  	_ =	shalt  }
0x83: {  	_ =	shalt  }
0x84: {  	_ =	shalt  }
0x85: {  	_ =	shalt  }
0x86: {  	_ =	shalt  }
0x87: {  	_ =	shalt  }
.Lfunc_end0:
.L_simem_size_0:
called_computation.1_lowered:
.L_overlay_start_0:
0x88: {  	s2 =	sld [smem:$0x3FD9]  }
0x89: {  	s3 =	sld [smem:$0x3FFE];
	_ =	sdelay $0x1  }
0x8a: {  	s1 =	srdreg.scid  }
0x8b: {  	s0 =	sand.u32 $0x1, s1  }
0x8c: {  	s17 =	sshll.u32 s0, $0xA;
	s2 =	sadd.s32 s3, s2  }
0x8d: {  	s2 =	sadd.s32 s2, s17  }
0x8e: {  	[smem:$0x3FC0] =	sst s2  }
0x8f: {  	_ = 	snop  }
0x90: {  	s2 =	sld [smem:$0x3FD0];
	(tm) =	ssettm $0x1  }
0x91: {  	s18 =	sld [smem:$0x3FFB];
	_ =	sdelay $0x3  }
0x92: {  	_ =	strace s18  }
0x93: {  	s3 =	sld [smem:$0x3FFC];
	_ =	sdelay $0x3  }
0x94: {  	_ =	strace s3  }
0x95: {  	s3 =	sld [smem:$0x3FFD];
	_ =	sdelay $0x3  }
0x96: {  	_ =	strace s3  }
0x97: {  	_ =	strace $0x8FFFFFFF  }
0x98: {  	s19 =	sld [smem:$0x3FDB];
	_ =	sdelay $0x1  }
0x99: {  	s4 =	simm.s32 $_scs_section_size  }
0x9a: {  	s5 =	simm.s32 $_size__tile_overlayer_lowered;
	s6 =	simm.s32 $_tile_overlayer_lowered  }
0x9b: {  	s22 =	simm.s32 $0x1BFF;
	s21 =	sshll.u32 s6, $0x1;
	s3 =	sadd.s32 s4, s19  }
0x9c: {  	s7 =	simm.s32 $0x0;
	s20 =	sshll.u32 s5, $0x1;
	s5 =	sadd.s32 s21, s3  }
0x9d: {  	[timem:s7], [sflag:s22] =	dma.local [hbm:s5], s20  }
0x9e: {  	_ =	swait.ge [sflag:s22], s20  }
0x9f: {  	s4 =	ssub.s32 $0x0, s20;
	[sflag:s22] =	ssyncset.done $0x0  }
0xa0: {  	[sflag:s22] =	ssyncadd.s32 s4;
	_ =	sdelay $0x1  }
0xa1: {  	s23 =	simm.s32 $0x1B8B  }
0xa2: {  	_ =	swait.ge [sflag:s23], $0x1  }
0xa3: {  	[sflag:s23] =	ssyncset.done $0x0  }
0xa4: {  	s25 =	simm.s32 $0x1B8E;
	s24 =	sld [smem:$0x3FFE];
	[sflag:s23] =	ssyncadd.s32 $0xFFFFFFFF  }
0xa5: {  	s26 =	simm.s32 $execute0_lowered;
	[smem:$0x3FD2] =	sst s25  }
0xa6: {  	s5 =	sshll.u32 s26, $0x1;
	_ =	strace $0x80000049;
	[dreg:$0x1] =	wrdreg $0xFFFFFFFF  }
0xa7: {  	s28 =	simm.s32 $_size_execute0_lowered;
	s3 =	sadd.s32 s3, s5;
	[dreg:$0x0] =	wrdreg $0x0  }
0xa8: {  	s5 =	sshll.u32 s28, $0x1;
	[dreg:$0x2] =	wrdreg s3  }
0xa9: {  	[dreg:$0x3] =	wrdreg s5  }
0xaa: {  	[dreg:$0x4] =	wrdreg $0xC0  }
0xab: {  	_ =	task [dreg:s7], $0x5FFFF  }
0xac: {  	[dreg:$0x1] =	wrdreg $0xFFFFFFFF  }
0xad: {  	[dreg:$0x0] =	wrdreg $0x60  }
0xae: {  	[dreg:$0x2] =	wrdreg s24  }
0xaf: {  	[dreg:$0x3] =	wrdreg s2  }
0xb0: {  	[dreg:$0x4] =	wrdreg $0x90000  }
0xb1: {  	[dreg:$0x5] =	wrdreg $0x9  }
0xb2: {  	_ =	task.clear_ibuf [dreg:s7], $0x6FFFF;
	_ =	strace $0x90000049  }
0xb3: {  	s29 =	simm.s32 $0x9;
	_ =	strace $0x8000004B  }
0xb4: {  	_ =	swait.ge [sflag:s29], $0x1  }
0xb5: {  	[sflag:s29] =	ssyncadd.s32 $0xFFFFFFFF  }
0xb6: {  	_ =	strace $0x9000004B  }
0xb7: {  	_ =	sfence  }
0xb8: {  	s30 =	sld [smem:$0x0];
	_ =	sdelay $0x2  }
0xb9: {  	s31 =	sshll.u32 s1, $0xD;
	s1 =	sshrl.u32 s1, $0x2  }
0xba: {  	s3 =	sand.u32 $0x4000, s31;
	s1 =	sadd.s32 s1, s30  }
0xbb: {  	s0 =	sor.u32 s3, s0;
	s1 =	sshll.u32 s1, $0x11  }
0xbc: {  	s0 =	sor.u32 s1, s0  }
0xbd: {  	s0 =	sadd.s32 $0x8F2B, s0  }
0xbe: {  	[sflag:s0] =	ssyncadd.remote.s32 $0x1  }
0xbf: {  	_ =	sfence.sel $0xFFFF  }
0xc0: {  	[dreg:$0x0] =	wrdreg $0xFFFFFFFF;
	(pc) =	sbr.abs _section_cstart, $3  }
0xc1: {  	[dreg:$0x1] =	wrdreg $0xFFFFFFFF  }
0xc2: {  	_ =	task.clear_ibuf [dreg:s7], $0x2FFFF;
	_ =	strace $0x9FFFFFFF  }
0xc3: {  	(tm) =	ssettm $0x7FFFFFFF  }
tec
execute0_lowered:
.L_overlay_start_1:
0x0: {  	(tag) =	ssettag $0x1  }
0x1: {  	s5 =	rddreg [dreg:$0x0]  }
0x2: {  	s6 =	rddreg [dreg:$0x1]  }
0x3: {  	s2 =	rddreg [dreg:$0x2]  }
0x4: {  	s0 =	rddreg [dreg:$0x3]  }
0x5: {  	s1 =	stileid.u32;
	s3 =	simm.s32 $0x0;
	s4 =	srdreg.scid  }
0x6: {  	s15 =	simm.s32 $0x2800;
	s16 =	simm.s32 $0x5000;
	s7 =	smul.u32 $0x2800, s1  }
0x7: {  	s17 =	simm.s32 $0x80;
	s20 =	simm.s32 $0x0;
	s9 =	smul.u32 $0x2780, s1  }
0x8: {  	[smem:$0x7FF] =	sst s3;
	s8 =	sand.u32 $0x1, s4;
	s29 =	smul.u32 $0x4F000, s1  }
0x9: {  	s4 =	sadd.s32 $0x56C00, s5;
	s18 =	sshll.u32 s1, $0x6;
	s10 =	smul.u32 $0x27800, s8  }
0xa: {  	_ =	strace $0x8000004A;
	s12 =	smul.u32 $0x28000, s8;
	s30 =	ssub.s32 $0x2, s8  }
0xb: {  	s18 =	sor.u32 $0x1C01, s18;
	s11 =	sshrl.u32 s7, $0x3;
	s8 =	sshrl.u32 s30, $0x1  }
0xc: {  	s31 =	sshrl.u32 s29, $0x2;
	s11 =	sadd.s32 s11, s5;
	s7 =	sadd.s32 s7, s12  }
0xd: {  	s9 =	sadd.s32 s9, s10;
	s14 =	ssub.s32 s30, s8;
	s7 =	sshrl.u32 s7, $0x3  }
0xe: {  	s13 =	sadd.s32 s9, s5;
	s5 =	sadd.s32 s6, s7;
	s6 =	sadd.s32 s31, s2  }
0xf: {  	s7 =	sadd.s32 $0x2C00, s11;
	s12 =	sadd.s32 $0xA5C00, s13;
	s13 =	smax.u32 s14, $0x1  }
0x10: {  	s14 =	simm.s32 $0x1;
	s8 =	sadd.s32 $0x4000, s6;
	s9 =	sadd.s32 $0x8000, s6  }
0x11: {  	v0 =	vimm.f32 $0.0e+00;
	s10 =	sadd.s32 $0xC000, s6;
	s11 =	sadd.s32 $0x10000, s6;
	s19 =	sshrl.u32 s6, $0x3  }
.LBB2_1:
0x12: {  	[tilespmem:s3], [sflag:$0x1] =	stream.linear.gather [hbm4b:s5+s3], $0x2800, $0x38;
	[tilespmem:$0x1CC00] =	vst v63  }
0x13: {  	_ =	swait.ge [sflag:s14], $0x2800  }
0x14: {  	[sflag:s14] =	ssyncset.done $0x0  }
0x15: {  	[sflag:s14] =	ssyncadd.s32 $0xFFFFD800  }
0x16: {  	[tilespmem:s15], [sflag:$0x1] =	stream.linear.gather [hbm4b:s7+s3], $0x2800, $0x38;
	[tilespmem:$0x1CC00] =	vst v63  }
0x17: {  	_ =	swait.ge [sflag:s14], $0x2800  }
0x18: {  	[sflag:s14] =	ssyncset.done $0x0  }
0x19: {  	s21 =	simm.s32 $0x0;
	s22 =	simm.s32 $0x200;
	[sflag:s14] =	ssyncadd.s32 $0xFFFFD800  }
.LBB2_2:
0x1a: {  	p0 =	sne.s32 s22, $0xFE00;
	[tilespmem:s21+$0x5070] =	vst v0  }
0x1b: {  	[tilespmem:s21+$0x5000] =	vst v0  }
0x1c: {  	[tilespmem:s21+$0x5010] =	vst v0  }
.Ltmp0:
0x1d: {  	[tilespmem:s21+$0x5020] =	vst v0;
	(pc) =	sbr.rel @p0 .LBB2_2-.Ltmp0, $4  }
0x1e: {  	[tilespmem:s21+$0x5030] =	vst v0  }
0x1f: {  	[tilespmem:s21+$0x5040] =	vst v0  }
0x20: {  	[tilespmem:s21+$0x5050] =	vst v0  }
0x21: {  	[tilespmem:s21+$0x5060] =	vst v0;
	s21 =	sshra.s32 s22, $0x2;
	s22 =	sadd.s32 $0x200, s22  }
0x22: {  	[tilespmem:s21+$0x5070] =	vst v0  }
0x23: {  	[tilespmem:s21+$0x5000] =	vst v0  }
0x24: {  	[tilespmem:s21+$0x5010] =	vst v0  }
0x25: {  	[tilespmem:s21+$0x5020] =	vst v0  }
0x26: {  	[tilespmem:s21+$0x5030] =	vst v0  }
0x27: {  	[tilespmem:s21+$0x5040] =	vst v0  }
0x28: {  	[tilespmem:s21+$0x5050] =	vst v0  }
0x29: {  	[tilespmem:s21+$0x5060] =	vst v0  }
0x2a: {  	[spmem:s6] =	stream.linear.scatter [tilespmem:s16], [sflag:$0x1], $0x4000, $0x38;
	[tilespmem:$0x1CC00] =	vst v63  }
0x2b: {  	_ =	swait.ge [sflag:s14], $0x4000  }
0x2c: {  	[sflag:s14] =	ssyncset.done $0x0  }
0x2d: {  	[sflag:s14] =	ssyncadd.s32 $0xFFFFC000  }
0x2e: {  	[spmem:s8] =	stream.linear.scatter [tilespmem:s16], [sflag:$0x1], $0x4000, $0x38;
	[tilespmem:$0x1CC00] =	vst v63  }
0x2f: {  	_ =	swait.ge [sflag:s14], $0x4000  }
0x30: {  	[sflag:s14] =	ssyncset.done $0x0  }
0x31: {  	[sflag:s14] =	ssyncadd.s32 $0xFFFFC000  }
0x32: {  	[spmem:s9] =	stream.linear.scatter [tilespmem:s16], [sflag:$0x1], $0x4000, $0x38;
	[tilespmem:$0x1CC00] =	vst v63  }
0x33: {  	_ =	swait.ge [sflag:s14], $0x4000  }
0x34: {  	[sflag:s14] =	ssyncset.done $0x0  }
0x35: {  	[sflag:s14] =	ssyncadd.s32 $0xFFFFC000  }
0x36: {  	[spmem:s10] =	stream.linear.scatter [tilespmem:s16], [sflag:$0x1], $0x4000, $0x38;
	[tilespmem:$0x1CC00] =	vst v63  }
0x37: {  	_ =	swait.ge [sflag:s14], $0x4000  }
0x38: {  	[sflag:s14] =	ssyncset.done $0x0  }
0x39: {  	[sflag:s14] =	ssyncadd.s32 $0xFFFFC000  }
0x3a: {  	[spmem:s11] =	stream.linear.scatter [tilespmem:s16], [sflag:$0x1], $0x3C00, $0x38;
	[tilespmem:$0x1CC00] =	vst v63  }
0x3b: {  	_ =	swait.ge [sflag:s14], $0x3C00  }
0x3c: {  	[sflag:s14] =	ssyncset.done $0x0  }
0x3d: {  	[sflag:s14] =	ssyncadd.s32 $0xFFFFC400  }
0x3e: {  	s30 =	simm.s32 $0x0;
	[bflag:$0x0] =	sbarrier.arrive $0xFFFF  }
0x3f: {  	[tilespmem:s16], [sflag:$0x1] =	stream.indirect.gather [hbm4b:s4+s17], $0x80, s30, s17, $0xb8;
	[tilespmem:$0x1CC00] =	vst v63  }
0x40: {  	_ =	swait.ge [sflag:s14], $0x4000  }
0x41: {  	[sflag:s14] =	ssyncset.done $0x0  }
0x42: {  	s31 =	simm.s32 $0x2800;
	[sflag:s14] =	ssyncadd.s32 $0xFFFFC000  }
0x43: {  	[spmem:s2] =	stream.indirect.scatter.add.f32 [tilespmem:s16], [sflag:$0x1], $0x80, s31, s17, $0xb8;
	[tilespmem:$0x1CC00] =	vst v63  }
0x44: {  	_ =	swait.ge [sflag:s14], $0x4000  }
0x45: {  	s21 =	simm.s32 $0x200;
	s22 =	simm.s32 $0x400;
	[sflag:s14] =	ssyncset.done $0x0  }
.LBB2_4:
0x46: {  	s23 =	sshra.s32 s21, $0x2  }
0x47: {  	[sflag:s14] =	ssyncadd.s32 $0xFFFFC000;
	s21 =	smov.u32 s22;
	s24 =	sadd.s32 $0x200, s22  }
0x48: {  	[tilespmem:s16], [sflag:$0x1] =	stream.indirect.gather [hbm4b:s4+s17], $0x80, s23, s17, $0xb8;
	[tilespmem:$0x1CC00] =	vst v63  }
0x49: {  	p0 =	sne.s32 s22, $0x9E00;
	_ =	swait.ge [sflag:s14], $0x4000  }
.Ltmp1:
0x4a: {  	[sflag:s14] =	ssyncset.done $0x0;
	(pc) =	sbr.rel @p0 .LBB2_4-.Ltmp1, $4  }
0x4b: {  	s22 =	sadd.s32 $0x2800, s23;
	[sflag:s14] =	ssyncadd.s32 $0xFFFFC000  }
0x4c: {  	[spmem:s2] =	stream.indirect.scatter.add.f32 [tilespmem:s16], [sflag:$0x1], $0x80, s22, s17, $0xb8;
	[tilespmem:$0x1CC00] =	vst v63  }
0x4d: {  	_ =	swait.ge [sflag:s14], $0x4000  }
0x4e: {  	s22 =	smov.u32 s24;
	[sflag:s14] =	ssyncset.done $0x0  }
0x4f: {  	s21 =	sshra.s32 s21, $0x2;
	[sflag:s14] =	ssyncadd.s32 $0xFFFFC000  }
0x50: {  	[tilespmem:s16], [sflag:$0x1] =	stream.indirect.gather [hbm4b:s4+s17], $0x80, s21, s17, $0xb8;
	[tilespmem:$0x1CC00] =	vst v63  }
0x51: {  	_ =	swait.ge [sflag:s14], $0x4000  }
0x52: {  	[sflag:s14] =	ssyncset.done $0x0  }
0x53: {  	s21 =	sadd.s32 $0x2800, s21;
	[sflag:s14] =	ssyncadd.s32 $0xFFFFC000  }
0x54: {  	[spmem:s2] =	stream.indirect.scatter.add.f32 [tilespmem:s16], [sflag:$0x1], $0x80, s21, s17, $0xb8;
	[tilespmem:$0x1CC00] =	vst v63  }
0x55: {  	_ =	swait.ge [sflag:s14], $0x4000  }
0x56: {  	s20 =	sadd.s32 $0x1, s20;
	[sflag:s14] =	ssyncset.done $0x0  }
0x57: {  	p0 =	sne.s32 s20, s13;
	[sflag:s14] =	ssyncadd.s32 $0xFFFFC000  }
.Ltmp2:
0x58: {  	[bflag:$0x0] =	sbarrier.arrive $0xFFFF;
	(pc) =	sbr.rel @p0 .LBB2_1-.Ltmp2, $4  }
0x59: {  	[hbm:s12], [sflag:s18] =	dma.local [spmem:s19], $0x2780  }
0x5a: {  	_ =	swait.ge [sflag:s14], $0x2780  }
0x5b: {  	[sflag:s14] =	ssyncset.done $0x0  }
0x5c: {  	[sflag:s14] =	ssyncadd.s32 $0xFFFFD880  }
0x5d: {  	_ =	sfence.sel $0x180000  }
0x5e: {  	[bflag:$0x0] =	sbarrier.arrive $0xFFFF  }
0x5f: {  	p0 =	sne.s32 s1, $0x0;
	_ =	strace $0x9000004A  }
0x60: {  	s0 =	sadd.s32 @!p0 $0x100000, s0;
	[bflag:$0x2] =	sbarrier.arrive $0xFFFF  }
0x61: {  	[sflag:s0] =	ssyncadd.tile.s32 @!p0 $0x1;
	_ =	shalt  }
.Lfunc_end2:
_tile_overlayer_lowered:
.L_overlay_start_2:
0x62: {  	(tag) =	ssettag $0x2  }
0x63: {  	s0 =	rddreg [dreg:$0x0];
	s2 =	stileid.u32  }
0x64: {  	s1 =	rddreg [dreg:$0x1];
	p0 =	sne.s32 s2, $0x0  }
0x65: {  	s3 =	rddreg [dreg:$0x2];
	[bflag:$0x3] =	sbarrier.arrive $0xFFFF;
	s2 =	simm.s32 @!p0 $0x1C01  }
0x66: {  	[timem:s3], [sflag:s2] =	dma.local @!p0 [hbm:s0], s1  }
0x67: {  	s0 =	simm.s32 @!p0 $0x1  }
0x68: {  	_ =	swait.ge @!p0 [sflag:s0], s1  }
0x69: {  	s1 =	ssub.s32 @!p0 $0x0, s1;
	[sflag:s0] =	ssyncset.done @!p0 $0x0  }
0x6a: {  	[sflag:s0] =	ssyncadd.s32 @!p0 s1  }
0x6b: {  	[bflag:$0x3] =	sbarrier.arrive $0xFFFF  }
0x6c: {  	_ =	shalt  }

// kernel: kernel.16.cloned.1.call-start
scs
__scs_entry_jumppad:
0x0: {  	(pc) =	sbr.rel $0x88, $3  }
0x1: {  	(tag) =	ssettag $0x0;
	lr =	simm.s32 $0x1  }
0x2: {  	[smem:$0x3F99] =	sst lr;
	_ =	strace $0xD0000000  }
0x3: {  	_ = 	snop  }
0x4: {  	_ = 	snop  }
0x5: {  	_ = 	snop  }
0x6: {  	_ = 	snop  }
0x7: {  	_ = 	snop  }
__scs_overlays_trampoline_lowered:
0x8: {  	[smem:$0x3FA8] =	sst s0  }
0x9: {  	[smem:$0x3FA9] =	sst s1  }
0xa: {  	[smem:$0x3FAA] =	sst s2  }
0xb: {  	[smem:$0x3FAB] =	sst s3  }
0xc: {  	[smem:$0x3FAC] =	sst s4  }
0xd: {  	[smem:$0x3FAD] =	sst s5  }
0xe: {  	[smem:$0x3FAE] =	sst s6  }
0xf: {  	[smem:$0x3FAF] =	sst s7  }
0x10: {  	[smem:$0x3FB0] =	sst s8  }
0x11: {  	[smem:$0x3FB1] =	sst s9;
	s0 =	simm.s32 @!p0 $0x0  }
0x12: {  	s1 =	sld [smem:$0x3F97];
	s0 =	simm.s32 @p0 $0x1  }
0x13: {  	[smem:$0x3FB2] =	sst s0;
	s0 =	simm.s32 @!p1 $0x0  }
0x14: {  	s2 =	sld [smem:$0x3F96];
	s0 =	simm.s32 @p1 $0x1  }
0x15: {  	[smem:$0x3FB3] =	sst s0;
	s0 =	simm.s32 @!p2 $0x0  }
0x16: {  	s3 =	sld [smem:$0x3FDB];
	s0 =	simm.s32 @p2 $0x1  }
0x17: {  	s4 =	simm.s32 $0x1BF5;
	[smem:$0x3FB5] =	sst s0  }
0x18: {  	s0 =	sld [smem:$0x3F98];
	_ =	swait.ge [sflag:s4], $0x0  }
0x19: {  	s7 =	sld [smem:$0x3F99]  }
0x1a: {  	s8 =	sadd.s32 $0xFFFFE003, lr  }
0x1b: {  	s9 =	sadd.s32 $0xFFFFFEF7, lr;
	s5 =	simm.s32 $0xFFFFFFFF;
	p2 =	slt.u32 s8, $0xFFFFF086  }
0x1c: {  	p1 =	slt.u32 s9, $0xF7A;
	s5 =	simm.s32 @!p2 $0x0  }
0x1d: {  	s5 =	simm.s32 @p1 $0x1;
	p0 =	seq.s32 s7, s2  }
0x1e: {  	s7 =	smul.u32 @!p0 $0xF7A, s2;
	p2 =	seq.s32 @!p0 s5, $0x0  }
0x1f: {  	s9 =	smul.u32 $0xF7A, s1;
	s8 =	simm.s32 @!p0 $0x1BF5;
	p2 =	por !p2, p0  }
0x20: {  	[sflag:s8] =	ssyncset.s32 @!p0 $0xFFFFF086;
	s6 =	sadd.s32 @!p0 s3, s7;
	s7 =	simm.s32 @!p0 $0x108  }
0x21: {  	s3 =	sadd.s32 s3, s9;
	s6 =	sadd.s32 @!p0 $0x88, s6;
	s7 =	simm.s32 @p2 $0x1082  }
0x22: {  	[simem:s7], [sflag:s8] =	dma.local @!p0 [hbm:s6], $0xF7A  }
0x23: {  	s9 =	sor.u32 $0xD0000000, s2;
	s6 =	simm.s32 $0x108;
	_ =	swait.ge @!p0 [sflag:s8], $0x0  }
0x24: {  	s3 =	sadd.s32 $0x88, s3;
	s6 =	simm.s32 @!p1 $0x1082;
	[sflag:s4] =	ssyncset.s32 $0xFFFFF086  }
0x25: {  	[simem:s6], [sflag:s4] =	dma.local [hbm:s3], $0xF7A  }
0x26: {  	[smem:$0x3F99] =	sst s1;
	(tag) =	ssettag s2;
	_ =	strace s9  }
0x27: {  	s1 =	sld [smem:$0x3FA9]  }
0x28: {  	s2 =	sld [smem:$0x3FAA]  }
0x29: {  	s4 =	sld [smem:$0x3FAC]  }
0x2a: {  	p0 =	seq.s32 s5, $0x0;
	s5 =	sld [smem:$0x3FAD]  }
0x2b: {  	s6 =	sld [smem:$0x3FAE]  }
0x2c: {  	s7 =	sld [smem:$0x3FAF]  }
0x2d: {  	s3 =	simm.s32 $0x108;
	s8 =	sld [smem:$0x3FB0]  }
0x2e: {  	s3 =	simm.s32 @!p0 $0x1082;
	s9 =	sld [smem:$0x3FB1]  }
0x2f: {  	lr =	sadd.s32 s0, s3;
	s0 =	sld [smem:$0x3FA8]  }
0x30: {  	s3 =	sld [smem:$0x3FAB]  }
0x31: {  	[smem:$0x3FB4] =	sst s10  }
0x32: {  	s10 =	sld [smem:$0x3FB2];
	_ =	sdelay $0x3  }
0x33: {  	p0 =	seq.s32 s10, $0x1;
	s10 =	sld [smem:$0x3FB4];
	_ =	sdelay $0x3  }
0x34: {  	[smem:$0x3FB4] =	sst s10  }
0x35: {  	s10 =	sld [smem:$0x3FB3];
	_ =	sdelay $0x3  }
0x36: {  	p1 =	seq.s32 s10, $0x1;
	s10 =	sld [smem:$0x3FB4];
	_ =	sdelay $0x3  }
0x37: {  	[smem:$0x3FB4] =	sst s10  }
0x38: {  	s10 =	sld [smem:$0x3FB5]  }
0x39: {  	_ = 	snop;
	(pc) =	sbr.ind lr, $3  }
0x3a: {  	_ = 	snop  }
0x3b: {  	_ = 	snop  }
0x3c: {  	p2 =	seq.s32 s10, $0x1;
	s10 =	sld [smem:$0x3FB4]  }
0x3d: {  	_ =	shalt  }
0x3e: {  	_ =	shalt  }
0x3f: {  	_ =	shalt  }
0x40: {  	_ =	shalt  }
0x41: {  	_ =	shalt  }
0x42: {  	_ =	shalt  }
0x43: {  	_ =	shalt  }
0x44: {  	_ =	shalt  }
0x45: {  	_ =	shalt  }
0x46: {  	_ =	shalt  }
0x47: {  	_ =	shalt  }
0x48: {  	_ =	shalt  }
0x49: {  	_ =	shalt  }
0x4a: {  	_ =	shalt  }
0x4b: {  	_ =	shalt  }
0x4c: {  	_ =	shalt  }
0x4d: {  	_ =	shalt  }
0x4e: {  	_ =	shalt  }
0x4f: {  	_ =	shalt  }
0x50: {  	_ =	shalt  }
0x51: {  	_ =	shalt  }
0x52: {  	_ =	shalt  }
0x53: {  	_ =	shalt  }
0x54: {  	_ =	shalt  }
0x55: {  	_ =	shalt  }
0x56: {  	_ =	shalt  }
0x57: {  	_ =	shalt  }
0x58: {  	_ =	shalt  }
0x59: {  	_ =	shalt  }
0x5a: {  	_ =	shalt  }
0x5b: {  	_ =	shalt  }
0x5c: {  	_ =	shalt  }
0x5d: {  	_ =	shalt  }
0x5e: {  	_ =	shalt  }
0x5f: {  	_ =	shalt  }
0x60: {  	_ =	shalt  }
0x61: {  	_ =	shalt  }
0x62: {  	_ =	shalt  }
0x63: {  	_ =	shalt  }
0x64: {  	_ =	shalt  }
0x65: {  	_ =	shalt  }
0x66: {  	_ =	shalt  }
0x67: {  	_ =	shalt  }
0x68: {  	_ =	shalt  }
0x69: {  	_ =	shalt  }
0x6a: {  	_ =	shalt  }
0x6b: {  	_ =	shalt  }
0x6c: {  	_ =	shalt  }
0x6d: {  	_ =	shalt  }
0x6e: {  	_ =	shalt  }
0x6f: {  	_ =	shalt  }
0x70: {  	_ =	shalt  }
0x71: {  	_ =	shalt  }
0x72: {  	_ =	shalt  }
0x73: {  	_ =	shalt  }
0x74: {  	_ =	shalt  }
0x75: {  	_ =	shalt  }
0x76: {  	_ =	shalt  }
0x77: {  	_ =	shalt  }
0x78: {  	_ =	shalt  }
0x79: {  	_ =	shalt  }
0x7a: {  	_ =	shalt  }
0x7b: {  	_ =	shalt  }
0x7c: {  	_ =	shalt  }
0x7d: {  	_ =	shalt  }
0x7e: {  	_ =	shalt  }
0x7f: {  	_ =	shalt  }
0x80: {  	_ =	shalt  }
0x81: {  	_ =	shalt  }
0x82: {  	_ =	shalt  }
0x83: {  	_ =	shalt  }
0x84: {  	_ =	shalt  }
0x85: {  	_ =	shalt  }
0x86: {  	_ =	shalt  }
0x87: {  	_ =	shalt  }
.Lfunc_end0:
.L_simem_size_0:
called_computation.2_lowered:
.L_overlay_start_0:
0x88: {  	s2 =	sld [smem:$0x3FD9]  }
0x89: {  	s3 =	sld [smem:$0x3FFE];
	_ =	sdelay $0x1  }
0x8a: {  	s1 =	srdreg.scid  }
0x8b: {  	s0 =	sand.u32 $0x1, s1  }
0x8c: {  	s17 =	sshll.u32 s0, $0xA;
	s2 =	sadd.s32 s3, s2  }
0x8d: {  	s2 =	sadd.s32 s2, s17  }
0x8e: {  	[smem:$0x3FC0] =	sst s2  }
0x8f: {  	_ = 	snop  }
0x90: {  	s2 =	sld [smem:$0x3FD0];
	(tm) =	ssettm $0x1  }
0x91: {  	s18 =	sld [smem:$0x3FFB];
	_ =	sdelay $0x3  }
0x92: {  	_ =	strace s18  }
0x93: {  	s3 =	sld [smem:$0x3FFC];
	_ =	sdelay $0x3  }
0x94: {  	_ =	strace s3  }
0x95: {  	s3 =	sld [smem:$0x3FFD];
	_ =	sdelay $0x3  }
0x96: {  	_ =	strace s3  }
0x97: {  	_ =	strace $0x8FFFFFFF  }
0x98: {  	s19 =	sld [smem:$0x3FDB];
	_ =	sdelay $0x1  }
0x99: {  	s4 =	simm.s32 $_scs_section_size  }
0x9a: {  	s5 =	simm.s32 $_size__tile_overlayer_lowered;
	s6 =	simm.s32 $_tile_overlayer_lowered  }
0x9b: {  	s22 =	simm.s32 $0x1BFF;
	s21 =	sshll.u32 s6, $0x1;
	s3 =	sadd.s32 s4, s19  }
0x9c: {  	s7 =	simm.s32 $0x0;
	s20 =	sshll.u32 s5, $0x1;
	s5 =	sadd.s32 s21, s3  }
0x9d: {  	[timem:s7], [sflag:s22] =	dma.local [hbm:s5], s20  }
0x9e: {  	_ =	swait.ge [sflag:s22], s20  }
0x9f: {  	s4 =	ssub.s32 $0x0, s20;
	[sflag:s22] =	ssyncset.done $0x0  }
0xa0: {  	[sflag:s22] =	ssyncadd.s32 s4;
	_ =	sdelay $0x1  }
0xa1: {  	s23 =	simm.s32 $0x1B8B  }
0xa2: {  	_ =	swait.ge [sflag:s23], $0x1  }
0xa3: {  	[sflag:s23] =	ssyncset.done $0x0  }
0xa4: {  	s25 =	simm.s32 $0x1B8E;
	s24 =	sld [smem:$0x3FFE];
	[sflag:s23] =	ssyncadd.s32 $0xFFFFFFFF  }
0xa5: {  	s26 =	simm.s32 $execute0_lowered;
	[smem:$0x3FD2] =	sst s25  }
0xa6: {  	s5 =	sshll.u32 s26, $0x1;
	_ =	strace $0x8000004C;
	[dreg:$0x1] =	wrdreg $0xFFFFFFFF  }
0xa7: {  	s28 =	simm.s32 $_size_execute0_lowered;
	s3 =	sadd.s32 s3, s5;
	[dreg:$0x0] =	wrdreg $0x0  }
0xa8: {  	s5 =	sshll.u32 s28, $0x1;
	[dreg:$0x2] =	wrdreg s3  }
0xa9: {  	[dreg:$0x3] =	wrdreg s5  }
0xaa: {  	[dreg:$0x4] =	wrdreg $0xC0  }
0xab: {  	_ =	task [dreg:s7], $0x5FFFF  }
0xac: {  	[dreg:$0x1] =	wrdreg $0xFFFFFFFF  }
0xad: {  	[dreg:$0x0] =	wrdreg $0x60  }
0xae: {  	[dreg:$0x2] =	wrdreg s24  }
0xaf: {  	[dreg:$0x3] =	wrdreg s2  }
0xb0: {  	[dreg:$0x4] =	wrdreg $0x90000  }
0xb1: {  	[dreg:$0x5] =	wrdreg $0x9  }
0xb2: {  	_ =	task.clear_ibuf [dreg:s7], $0x6FFFF;
	_ =	strace $0x9000004C  }
0xb3: {  	s29 =	simm.s32 $0x9;
	_ =	strace $0x8000004E  }
0xb4: {  	_ =	swait.ge [sflag:s29], $0x1  }
0xb5: {  	[sflag:s29] =	ssyncadd.s32 $0xFFFFFFFF  }
0xb6: {  	_ =	strace $0x9000004E  }
0xb7: {  	_ =	sfence  }
0xb8: {  	s30 =	sld [smem:$0x0];
	_ =	sdelay $0x2  }
0xb9: {  	s31 =	sshll.u32 s1, $0xD;
	s1 =	sshrl.u32 s1, $0x2  }
0xba: {  	s3 =	sand.u32 $0x4000, s31;
	s1 =	sadd.s32 s1, s30  }
0xbb: {  	s0 =	sor.u32 s3, s0;
	s1 =	sshll.u32 s1, $0x11  }
0xbc: {  	s0 =	sor.u32 s1, s0  }
0xbd: {  	s0 =	sadd.s32 $0x8F2B, s0  }
0xbe: {  	[sflag:s0] =	ssyncadd.remote.s32 $0x1  }
0xbf: {  	_ =	sfence.sel $0xFFFF  }
0xc0: {  	[dreg:$0x0] =	wrdreg $0xFFFFFFFF;
	(pc) =	sbr.abs _section_cstart, $3  }
0xc1: {  	[dreg:$0x1] =	wrdreg $0xFFFFFFFF  }
0xc2: {  	_ =	task.clear_ibuf [dreg:s7], $0x2FFFF;
	_ =	strace $0x9FFFFFFF  }
0xc3: {  	(tm) =	ssettm $0x7FFFFFFF  }
tec
execute0_lowered:
.L_overlay_start_1:
0x0: {  	(tag) =	ssettag $0x1  }
0x1: {  	s5 =	rddreg [dreg:$0x0]  }
0x2: {  	s6 =	rddreg [dreg:$0x1]  }
0x3: {  	s2 =	rddreg [dreg:$0x2]  }
0x4: {  	s0 =	rddreg [dreg:$0x3]  }
0x5: {  	s1 =	stileid.u32;
	s3 =	simm.s32 $0x0;
	s4 =	srdreg.scid  }
0x6: {  	s15 =	simm.s32 $0x2800;
	s16 =	simm.s32 $0x5000;
	s7 =	smul.u32 $0x2800, s1  }
0x7: {  	s17 =	simm.s32 $0x80;
	s20 =	simm.s32 $0x0;
	s9 =	smul.u32 $0x2780, s1  }
0x8: {  	[smem:$0x7FF] =	sst s3;
	s8 =	sand.u32 $0x1, s4;
	s29 =	smul.u32 $0x4F000, s1  }
0x9: {  	s4 =	sadd.s32 $0x56C00, s5;
	s18 =	sshll.u32 s1, $0x6;
	s10 =	smul.u32 $0x27800, s8  }
0xa: {  	_ =	strace $0x8000004D;
	s12 =	smul.u32 $0x28000, s8;
	s30 =	ssub.s32 $0x2, s8  }
0xb: {  	s18 =	sor.u32 $0x1C01, s18;
	s11 =	sshrl.u32 s7, $0x3;
	s8 =	sshrl.u32 s30, $0x1  }
0xc: {  	s31 =	sshrl.u32 s29, $0x2;
	s11 =	sadd.s32 s11, s5;
	s7 =	sadd.s32 s7, s12  }
0xd: {  	s9 =	sadd.s32 s9, s10;
	s14 =	ssub.s32 s30, s8;
	s7 =	sshrl.u32 s7, $0x3  }
0xe: {  	s13 =	sadd.s32 s9, s5;
	s5 =	sadd.s32 s6, s7;
	s6 =	sadd.s32 s31, s2  }
0xf: {  	s7 =	sadd.s32 $0x2C00, s11;
	s12 =	sadd.s32 $0xA5C00, s13;
	s13 =	smax.u32 s14, $0x1  }
0x10: {  	s14 =	simm.s32 $0x1;
	s8 =	sadd.s32 $0x4000, s6;
	s9 =	sadd.s32 $0x8000, s6  }
0x11: {  	v0 =	vimm.f32 $0.0e+00;
	s10 =	sadd.s32 $0xC000, s6;
	s11 =	sadd.s32 $0x10000, s6;
	s19 =	sshrl.u32 s6, $0x3  }
.LBB2_1:
0x12: {  	[tilespmem:s3], [sflag:$0x1] =	stream.linear.gather [hbm4b:s5+s3], $0x2800, $0x38;
	[tilespmem:$0x1CC00] =	vst v63  }
0x13: {  	_ =	swait.ge [sflag:s14], $0x2800  }
0x14: {  	[sflag:s14] =	ssyncset.done $0x0  }
0x15: {  	[sflag:s14] =	ssyncadd.s32 $0xFFFFD800  }
0x16: {  	[tilespmem:s15], [sflag:$0x1] =	stream.linear.gather [hbm4b:s7+s3], $0x2800, $0x38;
	[tilespmem:$0x1CC00] =	vst v63  }
0x17: {  	_ =	swait.ge [sflag:s14], $0x2800  }
0x18: {  	[sflag:s14] =	ssyncset.done $0x0  }
0x19: {  	s21 =	simm.s32 $0x0;
	s22 =	simm.s32 $0x200;
	[sflag:s14] =	ssyncadd.s32 $0xFFFFD800  }
.LBB2_2:
0x1a: {  	p0 =	sne.s32 s22, $0xFE00;
	[tilespmem:s21+$0x5070] =	vst v0  }
0x1b: {  	[tilespmem:s21+$0x5000] =	vst v0  }
0x1c: {  	[tilespmem:s21+$0x5010] =	vst v0  }
.Ltmp0:
0x1d: {  	[tilespmem:s21+$0x5020] =	vst v0;
	(pc) =	sbr.rel @p0 .LBB2_2-.Ltmp0, $4  }
0x1e: {  	[tilespmem:s21+$0x5030] =	vst v0  }
0x1f: {  	[tilespmem:s21+$0x5040] =	vst v0  }
0x20: {  	[tilespmem:s21+$0x5050] =	vst v0  }
0x21: {  	[tilespmem:s21+$0x5060] =	vst v0;
	s21 =	sshra.s32 s22, $0x2;
	s22 =	sadd.s32 $0x200, s22  }
0x22: {  	[tilespmem:s21+$0x5070] =	vst v0  }
0x23: {  	[tilespmem:s21+$0x5000] =	vst v0  }
0x24: {  	[tilespmem:s21+$0x5010] =	vst v0  }
0x25: {  	[tilespmem:s21+$0x5020] =	vst v0  }
0x26: {  	[tilespmem:s21+$0x5030] =	vst v0  }
0x27: {  	[tilespmem:s21+$0x5040] =	vst v0  }
0x28: {  	[tilespmem:s21+$0x5050] =	vst v0  }
0x29: {  	[tilespmem:s21+$0x5060] =	vst v0  }
0x2a: {  	[spmem:s6] =	stream.linear.scatter [tilespmem:s16], [sflag:$0x1], $0x4000, $0x38;
	[tilespmem:$0x1CC00] =	vst v63  }
0x2b: {  	_ =	swait.ge [sflag:s14], $0x4000  }
0x2c: {  	[sflag:s14] =	ssyncset.done $0x0  }
0x2d: {  	[sflag:s14] =	ssyncadd.s32 $0xFFFFC000  }
0x2e: {  	[spmem:s8] =	stream.linear.scatter [tilespmem:s16], [sflag:$0x1], $0x4000, $0x38;
	[tilespmem:$0x1CC00] =	vst v63  }
0x2f: {  	_ =	swait.ge [sflag:s14], $0x4000  }
0x30: {  	[sflag:s14] =	ssyncset.done $0x0  }
0x31: {  	[sflag:s14] =	ssyncadd.s32 $0xFFFFC000  }
0x32: {  	[spmem:s9] =	stream.linear.scatter [tilespmem:s16], [sflag:$0x1], $0x4000, $0x38;
	[tilespmem:$0x1CC00] =	vst v63  }
0x33: {  	_ =	swait.ge [sflag:s14], $0x4000  }
0x34: {  	[sflag:s14] =	ssyncset.done $0x0  }
0x35: {  	[sflag:s14] =	ssyncadd.s32 $0xFFFFC000  }
0x36: {  	[spmem:s10] =	stream.linear.scatter [tilespmem:s16], [sflag:$0x1], $0x4000, $0x38;
	[tilespmem:$0x1CC00] =	vst v63  }
0x37: {  	_ =	swait.ge [sflag:s14], $0x4000  }
0x38: {  	[sflag:s14] =	ssyncset.done $0x0  }
0x39: {  	[sflag:s14] =	ssyncadd.s32 $0xFFFFC000  }
0x3a: {  	[spmem:s11] =	stream.linear.scatter [tilespmem:s16], [sflag:$0x1], $0x3C00, $0x38;
	[tilespmem:$0x1CC00] =	vst v63  }
0x3b: {  	_ =	swait.ge [sflag:s14], $0x3C00  }
0x3c: {  	[sflag:s14] =	ssyncset.done $0x0  }
0x3d: {  	[sflag:s14] =	ssyncadd.s32 $0xFFFFC400  }
0x3e: {  	s30 =	simm.s32 $0x0;
	[bflag:$0x0] =	sbarrier.arrive $0xFFFF  }
0x3f: {  	[tilespmem:s16], [sflag:$0x1] =	stream.indirect.gather [hbm4b:s4+s17], $0x80, s30, s17, $0xb8;
	[tilespmem:$0x1CC00] =	vst v63  }
0x40: {  	_ =	swait.ge [sflag:s14], $0x4000  }
0x41: {  	[sflag:s14] =	ssyncset.done $0x0  }
0x42: {  	s31 =	simm.s32 $0x2800;
	[sflag:s14] =	ssyncadd.s32 $0xFFFFC000  }
0x43: {  	[spmem:s2] =	stream.indirect.scatter.add.f32 [tilespmem:s16], [sflag:$0x1], $0x80, s31, s17, $0xb8;
	[tilespmem:$0x1CC00] =	vst v63  }
0x44: {  	_ =	swait.ge [sflag:s14], $0x4000  }
0x45: {  	s21 =	simm.s32 $0x200;
	s22 =	simm.s32 $0x400;
	[sflag:s14] =	ssyncset.done $0x0  }
.LBB2_4:
0x46: {  	s23 =	sshra.s32 s21, $0x2  }
0x47: {  	[sflag:s14] =	ssyncadd.s32 $0xFFFFC000;
	s21 =	smov.u32 s22;
	s24 =	sadd.s32 $0x200, s22  }
0x48: {  	[tilespmem:s16], [sflag:$0x1] =	stream.indirect.gather [hbm4b:s4+s17], $0x80, s23, s17, $0xb8;
	[tilespmem:$0x1CC00] =	vst v63  }
0x49: {  	p0 =	sne.s32 s22, $0x9E00;
	_ =	swait.ge [sflag:s14], $0x4000  }
.Ltmp1:
0x4a: {  	[sflag:s14] =	ssyncset.done $0x0;
	(pc) =	sbr.rel @p0 .LBB2_4-.Ltmp1, $4  }
0x4b: {  	s22 =	sadd.s32 $0x2800, s23;
	[sflag:s14] =	ssyncadd.s32 $0xFFFFC000  }
0x4c: {  	[spmem:s2] =	stream.indirect.scatter.add.f32 [tilespmem:s16], [sflag:$0x1], $0x80, s22, s17, $0xb8;
	[tilespmem:$0x1CC00] =	vst v63  }
0x4d: {  	_ =	swait.ge [sflag:s14], $0x4000  }
0x4e: {  	s22 =	smov.u32 s24;
	[sflag:s14] =	ssyncset.done $0x0  }
0x4f: {  	s21 =	sshra.s32 s21, $0x2;
	[sflag:s14] =	ssyncadd.s32 $0xFFFFC000  }
0x50: {  	[tilespmem:s16], [sflag:$0x1] =	stream.indirect.gather [hbm4b:s4+s17], $0x80, s21, s17, $0xb8;
	[tilespmem:$0x1CC00] =	vst v63  }
0x51: {  	_ =	swait.ge [sflag:s14], $0x4000  }
0x52: {  	[sflag:s14] =	ssyncset.done $0x0  }
0x53: {  	s21 =	sadd.s32 $0x2800, s21;
	[sflag:s14] =	ssyncadd.s32 $0xFFFFC000  }
0x54: {  	[spmem:s2] =	stream.indirect.scatter.add.f32 [tilespmem:s16], [sflag:$0x1], $0x80, s21, s17, $0xb8;
	[tilespmem:$0x1CC00] =	vst v63  }
0x55: {  	_ =	swait.ge [sflag:s14], $0x4000  }
0x56: {  	s20 =	sadd.s32 $0x1, s20;
	[sflag:s14] =	ssyncset.done $0x0  }
0x57: {  	p0 =	sne.s32 s20, s13;
	[sflag:s14] =	ssyncadd.s32 $0xFFFFC000  }
.Ltmp2:
0x58: {  	[bflag:$0x0] =	sbarrier.arrive $0xFFFF;
	(pc) =	sbr.rel @p0 .LBB2_1-.Ltmp2, $4  }
0x59: {  	[hbm:s12], [sflag:s18] =	dma.local [spmem:s19], $0x2780  }
0x5a: {  	_ =	swait.ge [sflag:s14], $0x2780  }
0x5b: {  	[sflag:s14] =	ssyncset.done $0x0  }
0x5c: {  	[sflag:s14] =	ssyncadd.s32 $0xFFFFD880  }
0x5d: {  	_ =	sfence.sel $0x180000  }
0x5e: {  	[bflag:$0x0] =	sbarrier.arrive $0xFFFF  }
0x5f: {  	p0 =	sne.s32 s1, $0x0;
	_ =	strace $0x9000004D  }
0x60: {  	s0 =	sadd.s32 @!p0 $0x100000, s0;
	[bflag:$0x2] =	sbarrier.arrive $0xFFFF  }
0x61: {  	[sflag:s0] =	ssyncadd.tile.s32 @!p0 $0x1;
	_ =	shalt  }
.Lfunc_end2:
_tile_overlayer_lowered:
.L_overlay_start_2:
0x62: {  	(tag) =	ssettag $0x2  }
0x63: {  	s0 =	rddreg [dreg:$0x0];
	s2 =	stileid.u32  }
0x64: {  	s1 =	rddreg [dreg:$0x1];
	p0 =	sne.s32 s2, $0x0  }
0x65: {  	s3 =	rddreg [dreg:$0x2];
	[bflag:$0x3] =	sbarrier.arrive $0xFFFF;
	s2 =	simm.s32 @!p0 $0x1C01  }
0x66: {  	[timem:s3], [sflag:s2] =	dma.local @!p0 [hbm:s0], s1  }
0x67: {  	s0 =	simm.s32 @!p0 $0x1  }
0x68: {  	_ =	swait.ge @!p0 [sflag:s0], s1  }
0x69: {  	s1 =	ssub.s32 @!p0 $0x0, s1;
	[sflag:s0] =	ssyncset.done @!p0 $0x0  }
0x6a: {  	[sflag:s0] =	ssyncadd.s32 @!p0 s1  }
0x6b: {  	[bflag:$0x3] =	sbarrier.arrive $0xFFFF  }
0x6c: {  	_ =	shalt  }

</sc_bundles>
